<compile_context>
chip_gen: v7x
topology: tpu7x:2x2x1
jax: 0.10.2.dev20260603
libtpu: 0.0.44.dev20260713+nightly
codegen_flags: <defaults>
</compile_context>

<pallas_src>
import jax
import jax.numpy as jnp
from jax import lax
from jax.experimental import pallas as pl
from jax.experimental.pallas import tpu as pltpu
from jax.experimental.pallas import tpu_sc as plsc

MAX_NORM = 2.0

B = 16384
L = 50
D = 32
NC = 2
NS = 16
NW = NC * NS
BPW = B // NW
ROWS_PER_CHUNK = 2
CHUNK_IDX = ROWS_PER_CHUNK * L
NCHUNK = BPW // ROWS_PER_CHUNK
NBUF = 8
UROWS = BPW // 128


def _renorm_tags_body(x_ref, o_ref):
    x = x_ref[...]
    r = lax.broadcasted_iota(jnp.int32, (128, 128), 0) // D
    c = lax.broadcasted_iota(jnp.int32, (128, 128), 1) // D
    m = (r == c).astype(jnp.float32)
    ssq = jax.lax.dot(x * x, m, precision=jax.lax.Precision.HIGHEST)
    scale = jnp.minimum(1.0, MAX_NORM / jnp.maximum(jnp.sqrt(ssq), 1e-7))
    o_ref[...] = x * scale


def _renorm_tags(tags_packed):
    n4 = tags_packed.shape[0]
    blk = 1000
    return pl.pallas_call(
        _renorm_tags_body,
        grid=(n4 // blk,),
        in_specs=[pl.BlockSpec((blk, 128), lambda i: (i, 0))],
        out_specs=pl.BlockSpec((blk, 128), lambda i: (i, 0)),
        out_shape=jax.ShapeDtypeStruct((n4, 128), jnp.float32),
    )(tags_packed)


def _combine_body(s_ref, q_ref, u_ref, o_ref):
    S = s_ref[...]
    Q = q_ref[...]
    U = u_ref[...]
    qU = jnp.sum(U * U, axis=1, keepdims=True)
    scale = jnp.minimum(1.0, MAX_NORM / jnp.maximum(jnp.sqrt(qU), 1e-7))
    v = U * scale + S
    tot = jnp.sum(v * v, axis=1, keepdims=True)
    ssq = qU * scale * scale + jnp.sum(Q, axis=1, keepdims=True)
    o_ref[...] = jax.nn.sigmoid(0.5 * (tot - ssq))


def _combine(S, Q, U):
    blk = 1024
    return pl.pallas_call(
        _combine_body,
        grid=(B // blk,),
        in_specs=[
            pl.BlockSpec((blk, D), lambda i: (i, 0)),
            pl.BlockSpec((blk, 16), lambda i: (i, 0)),
            pl.BlockSpec((blk, D), lambda i: (i, 0)),
        ],
        out_specs=pl.BlockSpec((blk, 1), lambda i: (i, 0)),
        out_shape=jax.ShapeDtypeStruct((B, 1), jnp.float32),
    )(S, Q, U)


def _sc_bag_body(tags_hbm, tidx_hbm, s_hbm, q_hbm,
                 idx_v, ring_v, s_stage, q_stage, *sems):
    wid = lax.axis_index("s") * NC + lax.axis_index("c")
    base = wid * BPW
    cbase = wid * NCHUNK

    pltpu.sync_copy(tidx_hbm.at[pl.ds(cbase, NCHUNK)], idx_v)

    for b in range(NBUF):
        pltpu.async_copy(tags_hbm.at[idx_v.at[b]], ring_v.at[b], sems[b])

    zero = jnp.zeros((16,), jnp.float32)

    def outer(g, _):
        for b in range(NBUF):
            cidx = g * NBUF + b
            pltpu.make_async_copy(tags_hbm.at[idx_v.at[cidx]],
                                  ring_v.at[b], sems[b]).wait()
            for seg in range(ROWS_PER_CHUNK):
                @plsc.parallel_loop(seg * L, (seg + 1) * L, step=1,
                                    unroll=10, carry=(zero, zero, zero))
                def acc(r, c, _b=b):
                    a0, a1, q = c
                    v0 = ring_v[_b, r, 0:16]
                    v1 = ring_v[_b, r, 16:32]
                    return (a0 + v0, a1 + v1, q + v0 * v0 + v1 * v1)
                a0, a1, q = acc
                row = cidx * ROWS_PER_CHUNK + seg
                s_stage[row, 0:16] = a0
                s_stage[row, 16:32] = a1
                q_stage[row, 0:16] = q
            nxt = cidx + NBUF

            @pl.when(nxt < NCHUNK)
            def _issue(_b=b, _nxt=nxt):
                pltpu.async_copy(tags_hbm.at[idx_v.at[_nxt]],
                                 ring_v.at[_b], sems[_b])
        return 0

    lax.fori_loop(0, NCHUNK // NBUF, outer, 0)

    pltpu.sync_copy(s_stage, s_hbm.at[pl.ds(base, BPW)])
    pltpu.sync_copy(q_stage, q_hbm.at[pl.ds(base, BPW)])


def _sc_bag(tags_renormed, tidx2):
    mesh = plsc.VectorSubcoreMesh(core_axis_name="c", subcore_axis_name="s")
    fn = pl.kernel(
        _sc_bag_body,
        out_type=(
            jax.ShapeDtypeStruct((B, D), jnp.float32),
            jax.ShapeDtypeStruct((B, 16), jnp.float32),
        ),
        mesh=mesh,
        compiler_params=pltpu.CompilerParams(use_tc_tiling_on_sc=False),
        scratch_types=[
            pltpu.VMEM((NCHUNK, CHUNK_IDX), jnp.int32),
            pltpu.VMEM((NBUF, CHUNK_IDX, D), jnp.float32),
            pltpu.VMEM((BPW, D), jnp.float32),
            pltpu.VMEM((BPW, 16), jnp.float32),
        ] + [pltpu.SemaphoreType.DMA] * NBUF,
    )
    return fn(tags_renormed, tidx2)


def _sc_user_body(utab_hbm, uid_hbm, u_hbm, uidx_v, u_stage, usem):
    wid = lax.axis_index("s") * NC + lax.axis_index("c")
    base = wid * BPW
    pltpu.sync_copy(uid_hbm.at[pl.ds(wid * UROWS, UROWS)], uidx_v)
    for j in range(UROWS):
        pltpu.async_copy(utab_hbm.at[uidx_v.at[j]],
                         u_stage.at[pl.ds(j * 128, 128)], usem)
    for j in range(UROWS):
        pltpu.make_async_copy(utab_hbm.at[uidx_v.at[j]],
                              u_stage.at[pl.ds(j * 128, 128)], usem).wait()
    pltpu.sync_copy(u_stage, u_hbm.at[pl.ds(base, BPW)])


def _sc_user_gather(users2, uid2):
    mesh = plsc.VectorSubcoreMesh(core_axis_name="c", subcore_axis_name="s")
    fn = pl.kernel(
        _sc_user_body,
        out_type=jax.ShapeDtypeStruct((B, D), jnp.float32),
        mesh=mesh,
        compiler_params=pltpu.CompilerParams(use_tc_tiling_on_sc=False),
        scratch_types=[
            pltpu.VMEM((UROWS, 128), jnp.int32),
            pltpu.VMEM((BPW, D), jnp.float32),
            pltpu.SemaphoreType.DMA,
        ],
    )
    return fn(users2, uid2)


def kernel(user_id, tag_ids, users_table, tags_table):
    n_users = users_table.shape[0]
    users2 = users_table.reshape(n_users, D)
    n_tags = tags_table.shape[0]
    tags_rn = _renorm_tags(tags_table.reshape(n_tags // 4, 4 * D))
    tags_rn = tags_rn.reshape(n_tags, D)
    tidx2 = tag_ids.reshape(B // ROWS_PER_CHUNK, CHUNK_IDX).astype(jnp.int32)
    uid2 = user_id.reshape(B // 128, 128).astype(jnp.int32)
    U = _sc_user_gather(users2, uid2)
    S, Q = _sc_bag(tags_rn, tidx2)
    return _combine(S, Q, U).reshape(B)

# --- scband reference (transcript-rebuilt; emitter-appended) ---
"""Pipeline reference for scband-fm-88751204204900 (READ-ONLY COPY).

The authoritative reference and input builder live on the scoring server;
editing this copy changes nothing except your own understanding.
"""

import jax, jax.numpy as jnp
import numpy as np

MAX_NORM = 2.0

def _renorm(emb, max_norm=MAX_NORM):
    # Emulates torch nn.Embedding(max_norm=2): rows with norm > max_norm are
    # rescaled to have norm == max_norm at lookup time.
    norms = jnp.linalg.norm(emb, axis=-1, keepdims=True)
    scale = jnp.minimum(1.0, max_norm / jnp.maximum(norms, 1e-7))
    return emb * scale

def setup_inputs(seed: int = 0) -> dict:
    key = jax.random.key(seed)
    k1, k2, k3, k4 = jax.random.split(key, 4)
    B, L, D = 16384, 50, 32
    n_users, n_tags = 1000000, 100000
    user_id = jax.random.randint(k1, (B,), 0, n_users, dtype=jnp.int64 if jax.config.jax_enable_x64 else jnp.int32)
    tag_ids = jax.random.randint(k2, (B, L), 0, n_tags, dtype=jnp.int64 if jax.config.jax_enable_x64 else jnp.int32)
    users_table = jax.random.normal(k3, (n_users, D), dtype=jnp.float32)
    tags_table = jax.random.normal(k4, (n_tags, D), dtype=jnp.float32)
    return {"user_id": user_id, "tag_ids": tag_ids, "users_table": users_table, "tags_table": tags_table}

def _fm_cross(features_emb):
    square_of_sum = jnp.sum(features_emb, axis=1) ** 2
    sum_of_square = jnp.sum(features_emb ** 2, axis=1)
    output = square_of_sum - sum_of_square
    output = jnp.sum(output, axis=1, keepdims=True)
    output = 0.5 * output
    output = jnp.squeeze(output)
    return output

def reference(user_id, tag_ids, users_table, tags_table):
    user_emb = _renorm(jnp.take(users_table, user_id, axis=0))          # [B, D]
    user_emb_extended = jnp.expand_dims(user_emb, axis=1)                 # [B, 1, D]
    item_tags_emb = _renorm(jnp.take(tags_table, tag_ids, axis=0))       # [B, L, D]
    features_emb = jnp.concatenate([user_emb_extended, item_tags_emb], axis=1)  # [B, L+1, D]
    output = _fm_cross(features_emb)                                      # [B]
    click_possibility = jax.nn.sigmoid(output)
    return click_possibility

if __name__ == "__main__":
    import jax
    _d = setup_inputs()
    print(jax.jit(kernel)(*tuple(_d.values())))

</pallas_src>

<mosaic_0001>
#map = affine_map<(d0, d1) -> (0, 0)>
module attributes {stable_mosaic.version = 14 : i64} {
  func.func @_sc_user_body(%arg0: i32, %arg1: i32, %arg2: memref<1000000x32xf32, #tpu.memory_space<hbm>>, %arg3: memref<128x128xi32, #tpu.memory_space<hbm>>, %arg4: memref<16384x32xf32, #tpu.memory_space<hbm>>, %arg5: memref<4x128xi32, #tpu.memory_space<vmem>>, %arg6: memref<512x32xf32, #tpu.memory_space<vmem>>, %arg7: memref<!tpu.dma_semaphore, #tpu.memory_space<semaphore_mem>>) attributes {dimension_semantics = [#tpu.dimension_semantics<core_parallel>, #tpu.dimension_semantics<subcore_parallel>], iteration_bounds = array<i64: 2, 16>, scalar_prefetch = 0 : i64, scratch_operands = 3 : i64, tpu.core_type = #tpu.core_type<sc_vector_subcore>, window_params = [{transform_indices = #map}, {transform_indices = #map}, {transform_indices = #map}]} {
    %mul3A = arith.constant 2 : i32
    %mul3A_0 = arith.muli %arg1, %mul3A : i32
    %add3A = arith.addi %mul3A_0, %arg0 : i32
    %mul3A_1 = arith.constant 512 : i32
    %mul3A_2 = arith.muli %add3A, %mul3A_1 : i32
    %mul3A_3 = arith.constant 4 : i32
    %mul3A_4 = arith.muli %add3A, %mul3A_3 : i32
    "tpu.region"() ({
      %run_scoped3A = tpu.sem_alloc : memref<!tpu.dma_semaphore, #tpu.memory_space<semaphore_mem>>
      %dma_start3A_83 = arith.constant 0 : i32
      %dma_start3A_84 = tpu.memref_slice %arg3[%mul3A_4, %dma_start3A_83] : memref<128x128xi32, #tpu.memory_space<hbm>> -> memref<4x128xi32, #tpu.memory_space<hbm>>
      %dma_start3A_85 = arith.constant 0 : i32
      %dma_start3A_86 = tpu.memref_slice %arg3[%mul3A_4, %dma_start3A_85] : memref<128x128xi32, #tpu.memory_space<hbm>> -> memref<4x128xi32, #tpu.memory_space<hbm>>
      tpu.enqueue_dma source(%dma_start3A_86 : memref<4x128xi32, #tpu.memory_space<hbm>>) target(%arg5 : memref<4x128xi32, #tpu.memory_space<vmem>>) target_semaphore(%run_scoped3A : memref<!tpu.dma_semaphore, #tpu.memory_space<semaphore_mem>>)
      %dma_wait3A_87 = arith.constant 0 : i32
      %dma_wait3A_88 = tpu.memref_slice %arg3[%mul3A_4, %dma_wait3A_87] : memref<128x128xi32, #tpu.memory_space<hbm>> -> memref<4x128xi32, #tpu.memory_space<hbm>>
      %dma_wait3A_89 = arith.constant 0 : i32
      %dma_wait3A_90 = tpu.memref_slice %arg3[%mul3A_4, %dma_wait3A_89] : memref<128x128xi32, #tpu.memory_space<hbm>> -> memref<4x128xi32, #tpu.memory_space<hbm>>
      tpu.wait_dma2 semaphore(%run_scoped3A : memref<!tpu.dma_semaphore, #tpu.memory_space<semaphore_mem>>) src(%dma_wait3A_90 : memref<4x128xi32, #tpu.memory_space<hbm>>) dst(%arg5 : memref<4x128xi32, #tpu.memory_space<vmem>>)
      tpu.yield
    }) : () -> ()
    %dma_start3A = arith.constant 0 : i32
    %dma_start3A_5 = arith.constant 0 : i32
    %dma_start3A_6 = arith.constant 0 : i32
    %dma_start3A_7 = tpu.memref_slice %arg6[%dma_start3A_5, %dma_start3A_6] : memref<512x32xf32, #tpu.memory_space<vmem>> -> memref<128x32xf32, #tpu.memory_space<vmem>>
    %dma_start3A_8 = arith.constant 0 : i32
    %dma_start3A_9 = tpu.memref_slice %arg5[%dma_start3A, %dma_start3A_8] : memref<4x128xi32, #tpu.memory_space<vmem>> -> memref<1x128xi32, #tpu.memory_space<vmem>>
    %dma_start3A_10 = tpu.memref_squeeze %dma_start3A_9 : memref<1x128xi32, #tpu.memory_space<vmem>> -> memref<128xi32, #tpu.memory_space<vmem>>
    %dma_start3A_11 = arith.constant 0 : i32
    %dma_start3A_12 = arith.constant 0 : i32
    %dma_start3A_13 = tpu.memref_slice %arg2[%dma_start3A_11, %dma_start3A_12] : memref<1000000x32xf32, #tpu.memory_space<hbm>> -> memref<1000000x32xf32, #tpu.memory_space<hbm>>
    tpu.enqueue_indirect_dma source(%dma_start3A_13 : memref<1000000x32xf32, #tpu.memory_space<hbm>>) target(%dma_start3A_7 : memref<128x32xf32, #tpu.memory_space<vmem>>) offsets(%dma_start3A_10 : memref<128xi32, #tpu.memory_space<vmem>>) semaphore(%arg7 : memref<!tpu.dma_semaphore, #tpu.memory_space<semaphore_mem>>)
    %dma_start3A_14 = arith.constant 1 : i32
    %dma_start3A_15 = arith.constant 128 : i32
    %dma_start3A_16 = arith.constant 0 : i32
    %dma_start3A_17 = tpu.memref_slice %arg6[%dma_start3A_15, %dma_start3A_16] : memref<512x32xf32, #tpu.memory_space<vmem>> -> memref<128x32xf32, #tpu.memory_space<vmem>>
    %dma_start3A_18 = arith.constant 0 : i32
    %dma_start3A_19 = tpu.memref_slice %arg5[%dma_start3A_14, %dma_start3A_18] : memref<4x128xi32, #tpu.memory_space<vmem>> -> memref<1x128xi32, #tpu.memory_space<vmem>>
    %dma_start3A_20 = tpu.memref_squeeze %dma_start3A_19 : memref<1x128xi32, #tpu.memory_space<vmem>> -> memref<128xi32, #tpu.memory_space<vmem>>
    %dma_start3A_21 = arith.constant 0 : i32
    %dma_start3A_22 = arith.constant 0 : i32
    %dma_start3A_23 = tpu.memref_slice %arg2[%dma_start3A_21, %dma_start3A_22] : memref<1000000x32xf32, #tpu.memory_space<hbm>> -> memref<1000000x32xf32, #tpu.memory_space<hbm>>
    tpu.enqueue_indirect_dma source(%dma_start3A_23 : memref<1000000x32xf32, #tpu.memory_space<hbm>>) target(%dma_start3A_17 : memref<128x32xf32, #tpu.memory_space<vmem>>) offsets(%dma_start3A_20 : memref<128xi32, #tpu.memory_space<vmem>>) semaphore(%arg7 : memref<!tpu.dma_semaphore, #tpu.memory_space<semaphore_mem>>)
    %dma_start3A_24 = arith.constant 2 : i32
    %dma_start3A_25 = arith.constant 256 : i32
    %dma_start3A_26 = arith.constant 0 : i32
    %dma_start3A_27 = tpu.memref_slice %arg6[%dma_start3A_25, %dma_start3A_26] : memref<512x32xf32, #tpu.memory_space<vmem>> -> memref<128x32xf32, #tpu.memory_space<vmem>>
    %dma_start3A_28 = arith.constant 0 : i32
    %dma_start3A_29 = tpu.memref_slice %arg5[%dma_start3A_24, %dma_start3A_28] : memref<4x128xi32, #tpu.memory_space<vmem>> -> memref<1x128xi32, #tpu.memory_space<vmem>>
    %dma_start3A_30 = tpu.memref_squeeze %dma_start3A_29 : memref<1x128xi32, #tpu.memory_space<vmem>> -> memref<128xi32, #tpu.memory_space<vmem>>
    %dma_start3A_31 = arith.constant 0 : i32
    %dma_start3A_32 = arith.constant 0 : i32
    %dma_start3A_33 = tpu.memref_slice %arg2[%dma_start3A_31, %dma_start3A_32] : memref<1000000x32xf32, #tpu.memory_space<hbm>> -> memref<1000000x32xf32, #tpu.memory_space<hbm>>
    tpu.enqueue_indirect_dma source(%dma_start3A_33 : memref<1000000x32xf32, #tpu.memory_space<hbm>>) target(%dma_start3A_27 : memref<128x32xf32, #tpu.memory_space<vmem>>) offsets(%dma_start3A_30 : memref<128xi32, #tpu.memory_space<vmem>>) semaphore(%arg7 : memref<!tpu.dma_semaphore, #tpu.memory_space<semaphore_mem>>)
    %dma_start3A_34 = arith.constant 3 : i32
    %dma_start3A_35 = arith.constant 384 : i32
    %dma_start3A_36 = arith.constant 0 : i32
    %dma_start3A_37 = tpu.memref_slice %arg6[%dma_start3A_35, %dma_start3A_36] : memref<512x32xf32, #tpu.memory_space<vmem>> -> memref<128x32xf32, #tpu.memory_space<vmem>>
    %dma_start3A_38 = arith.constant 0 : i32
    %dma_start3A_39 = tpu.memref_slice %arg5[%dma_start3A_34, %dma_start3A_38] : memref<4x128xi32, #tpu.memory_space<vmem>> -> memref<1x128xi32, #tpu.memory_space<vmem>>
    %dma_start3A_40 = tpu.memref_squeeze %dma_start3A_39 : memref<1x128xi32, #tpu.memory_space<vmem>> -> memref<128xi32, #tpu.memory_space<vmem>>
    %dma_start3A_41 = arith.constant 0 : i32
    %dma_start3A_42 = arith.constant 0 : i32
    %dma_start3A_43 = tpu.memref_slice %arg2[%dma_start3A_41, %dma_start3A_42] : memref<1000000x32xf32, #tpu.memory_space<hbm>> -> memref<1000000x32xf32, #tpu.memory_space<hbm>>
    tpu.enqueue_indirect_dma source(%dma_start3A_43 : memref<1000000x32xf32, #tpu.memory_space<hbm>>) target(%dma_start3A_37 : memref<128x32xf32, #tpu.memory_space<vmem>>) offsets(%dma_start3A_40 : memref<128xi32, #tpu.memory_space<vmem>>) semaphore(%arg7 : memref<!tpu.dma_semaphore, #tpu.memory_space<semaphore_mem>>)
    %dma_wait3A = arith.constant 0 : i32
    %dma_wait3A_44 = arith.constant 0 : i32
    %dma_wait3A_45 = arith.constant 0 : i32
    %dma_wait3A_46 = tpu.memref_slice %arg6[%dma_wait3A_44, %dma_wait3A_45] : memref<512x32xf32, #tpu.memory_space<vmem>> -> memref<128x32xf32, #tpu.memory_space<vmem>>
    %dma_wait3A_47 = arith.constant 0 : i32
    %dma_wait3A_48 = tpu.memref_slice %arg5[%dma_wait3A, %dma_wait3A_47] : memref<4x128xi32, #tpu.memory_space<vmem>> -> memref<1x128xi32, #tpu.memory_space<vmem>>
    %dma_wait3A_49 = tpu.memref_squeeze %dma_wait3A_48 : memref<1x128xi32, #tpu.memory_space<vmem>> -> memref<128xi32, #tpu.memory_space<vmem>>
    %dma_wait3A_50 = arith.constant 0 : i32
    %dma_wait3A_51 = arith.constant 0 : i32
    %dma_wait3A_52 = tpu.memref_slice %arg2[%dma_wait3A_50, %dma_wait3A_51] : memref<1000000x32xf32, #tpu.memory_space<hbm>> -> memref<1000000x32xf32, #tpu.memory_space<hbm>>
    tpu.wait_indirect_dma semaphore(%arg7 : memref<!tpu.dma_semaphore, #tpu.memory_space<semaphore_mem>>) src(%dma_wait3A_52 : memref<1000000x32xf32, #tpu.memory_space<hbm>>) dst(%dma_wait3A_46 : memref<128x32xf32, #tpu.memory_space<vmem>>)
    %dma_wait3A_53 = arith.constant 1 : i32
    %dma_wait3A_54 = arith.constant 128 : i32
    %dma_wait3A_55 = arith.constant 0 : i32
    %dma_wait3A_56 = tpu.memref_slice %arg6[%dma_wait3A_54, %dma_wait3A_55] : memref<512x32xf32, #tpu.memory_space<vmem>> -> memref<128x32xf32, #tpu.memory_space<vmem>>
    %dma_wait3A_57 = arith.constant 0 : i32
    %dma_wait3A_58 = tpu.memref_slice %arg5[%dma_wait3A_53, %dma_wait3A_57] : memref<4x128xi32, #tpu.memory_space<vmem>> -> memref<1x128xi32, #tpu.memory_space<vmem>>
    %dma_wait3A_59 = tpu.memref_squeeze %dma_wait3A_58 : memref<1x128xi32, #tpu.memory_space<vmem>> -> memref<128xi32, #tpu.memory_space<vmem>>
    %dma_wait3A_60 = arith.constant 0 : i32
    %dma_wait3A_61 = arith.constant 0 : i32
    %dma_wait3A_62 = tpu.memref_slice %arg2[%dma_wait3A_60, %dma_wait3A_61] : memref<1000000x32xf32, #tpu.memory_space<hbm>> -> memref<1000000x32xf32, #tpu.memory_space<hbm>>
    tpu.wait_indirect_dma semaphore(%arg7 : memref<!tpu.dma_semaphore, #tpu.memory_space<semaphore_mem>>) src(%dma_wait3A_62 : memref<1000000x32xf32, #tpu.memory_space<hbm>>) dst(%dma_wait3A_56 : memref<128x32xf32, #tpu.memory_space<vmem>>)
    %dma_wait3A_63 = arith.constant 2 : i32
    %dma_wait3A_64 = arith.constant 256 : i32
    %dma_wait3A_65 = arith.constant 0 : i32
    %dma_wait3A_66 = tpu.memref_slice %arg6[%dma_wait3A_64, %dma_wait3A_65] : memref<512x32xf32, #tpu.memory_space<vmem>> -> memref<128x32xf32, #tpu.memory_space<vmem>>
    %dma_wait3A_67 = arith.constant 0 : i32
    %dma_wait3A_68 = tpu.memref_slice %arg5[%dma_wait3A_63, %dma_wait3A_67] : memref<4x128xi32, #tpu.memory_space<vmem>> -> memref<1x128xi32, #tpu.memory_space<vmem>>
    %dma_wait3A_69 = tpu.memref_squeeze %dma_wait3A_68 : memref<1x128xi32, #tpu.memory_space<vmem>> -> memref<128xi32, #tpu.memory_space<vmem>>
    %dma_wait3A_70 = arith.constant 0 : i32
    %dma_wait3A_71 = arith.constant 0 : i32
    %dma_wait3A_72 = tpu.memref_slice %arg2[%dma_wait3A_70, %dma_wait3A_71] : memref<1000000x32xf32, #tpu.memory_space<hbm>> -> memref<1000000x32xf32, #tpu.memory_space<hbm>>
    tpu.wait_indirect_dma semaphore(%arg7 : memref<!tpu.dma_semaphore, #tpu.memory_space<semaphore_mem>>) src(%dma_wait3A_72 : memref<1000000x32xf32, #tpu.memory_space<hbm>>) dst(%dma_wait3A_66 : memref<128x32xf32, #tpu.memory_space<vmem>>)
    %dma_wait3A_73 = arith.constant 3 : i32
    %dma_wait3A_74 = arith.constant 384 : i32
    %dma_wait3A_75 = arith.constant 0 : i32
    %dma_wait3A_76 = tpu.memref_slice %arg6[%dma_wait3A_74, %dma_wait3A_75] : memref<512x32xf32, #tpu.memory_space<vmem>> -> memref<128x32xf32, #tpu.memory_space<vmem>>
    %dma_wait3A_77 = arith.constant 0 : i32
    %dma_wait3A_78 = tpu.memref_slice %arg5[%dma_wait3A_73, %dma_wait3A_77] : memref<4x128xi32, #tpu.memory_space<vmem>> -> memref<1x128xi32, #tpu.memory_space<vmem>>
    %dma_wait3A_79 = tpu.memref_squeeze %dma_wait3A_78 : memref<1x128xi32, #tpu.memory_space<vmem>> -> memref<128xi32, #tpu.memory_space<vmem>>
    %dma_wait3A_80 = arith.constant 0 : i32
    %dma_wait3A_81 = arith.constant 0 : i32
    %dma_wait3A_82 = tpu.memref_slice %arg2[%dma_wait3A_80, %dma_wait3A_81] : memref<1000000x32xf32, #tpu.memory_space<hbm>> -> memref<1000000x32xf32, #tpu.memory_space<hbm>>
    tpu.wait_indirect_dma semaphore(%arg7 : memref<!tpu.dma_semaphore, #tpu.memory_space<semaphore_mem>>) src(%dma_wait3A_82 : memref<1000000x32xf32, #tpu.memory_space<hbm>>) dst(%dma_wait3A_76 : memref<128x32xf32, #tpu.memory_space<vmem>>)
    "tpu.region"() ({
      %run_scoped3A = tpu.sem_alloc : memref<!tpu.dma_semaphore, #tpu.memory_space<semaphore_mem>>
      %dma_start3A_83 = arith.constant 0 : i32
      %dma_start3A_84 = tpu.memref_slice %arg4[%mul3A_2, %dma_start3A_83] : memref<16384x32xf32, #tpu.memory_space<hbm>> -> memref<512x32xf32, #tpu.memory_space<hbm>>
      %dma_start3A_85 = arith.constant 0 : i32
      %dma_start3A_86 = tpu.memref_slice %arg4[%mul3A_2, %dma_start3A_85] : memref<16384x32xf32, #tpu.memory_space<hbm>> -> memref<512x32xf32, #tpu.memory_space<hbm>>
      tpu.enqueue_dma source(%arg6 : memref<512x32xf32, #tpu.memory_space<vmem>>) target(%dma_start3A_86 : memref<512x32xf32, #tpu.memory_space<hbm>>) target_semaphore(%run_scoped3A : memref<!tpu.dma_semaphore, #tpu.memory_space<semaphore_mem>>)
      %dma_wait3A_87 = arith.constant 0 : i32
      %dma_wait3A_88 = tpu.memref_slice %arg4[%mul3A_2, %dma_wait3A_87] : memref<16384x32xf32, #tpu.memory_space<hbm>> -> memref<512x32xf32, #tpu.memory_space<hbm>>
      %dma_wait3A_89 = arith.constant 0 : i32
      %dma_wait3A_90 = tpu.memref_slice %arg4[%mul3A_2, %dma_wait3A_89] : memref<16384x32xf32, #tpu.memory_space<hbm>> -> memref<512x32xf32, #tpu.memory_space<hbm>>
      tpu.wait_dma2 semaphore(%run_scoped3A : memref<!tpu.dma_semaphore, #tpu.memory_space<semaphore_mem>>) src(%arg6 : memref<512x32xf32, #tpu.memory_space<vmem>>) dst(%dma_wait3A_90 : memref<512x32xf32, #tpu.memory_space<hbm>>)
      tpu.yield
    }) : () -> ()
    return
  }
}

#map = affine_map<(d0, d1) -> (0, 0)>
module attributes {stable_mosaic.version = 14 : i64} {
  func.func @_sc_bag_body(%arg0: i32, %arg1: i32, %arg2: memref<100000x32xf32, #tpu.memory_space<hbm>>, %arg3: memref<8192x100xi32, #tpu.memory_space<hbm>>, %arg4: memref<16384x32xf32, #tpu.memory_space<hbm>>, %arg5: memref<16384x16xf32, #tpu.memory_space<hbm>>, %arg6: memref<256x100xi32, #tpu.memory_space<vmem>>, %arg7: memref<8x100x32xf32, #tpu.memory_space<vmem>>, %arg8: memref<512x32xf32, #tpu.memory_space<vmem>>, %arg9: memref<512x16xf32, #tpu.memory_space<vmem>>, %arg10: memref<!tpu.dma_semaphore, #tpu.memory_space<semaphore_mem>>, %arg11: memref<!tpu.dma_semaphore, #tpu.memory_space<semaphore_mem>>, %arg12: memref<!tpu.dma_semaphore, #tpu.memory_space<semaphore_mem>>, %arg13: memref<!tpu.dma_semaphore, #tpu.memory_space<semaphore_mem>>, %arg14: memref<!tpu.dma_semaphore, #tpu.memory_space<semaphore_mem>>, %arg15: memref<!tpu.dma_semaphore, #tpu.memory_space<semaphore_mem>>, %arg16: memref<!tpu.dma_semaphore, #tpu.memory_space<semaphore_mem>>, %arg17: memref<!tpu.dma_semaphore, #tpu.memory_space<semaphore_mem>>) attributes {dimension_semantics = [#tpu.dimension_semantics<core_parallel>, #tpu.dimension_semantics<subcore_parallel>], iteration_bounds = array<i64: 2, 16>, scalar_prefetch = 0 : i64, scratch_operands = 12 : i64, tpu.core_type = #tpu.core_type<sc_vector_subcore>, window_params = [{transform_indices = #map}, {transform_indices = #map}, {transform_indices = #map}, {transform_indices = #map}]} {
    %mul3A = arith.constant 2 : i32
    %mul3A_0 = arith.muli %arg1, %mul3A : i32
    %add3A = arith.addi %mul3A_0, %arg0 : i32
    %mul3A_1 = arith.constant 512 : i32
    %mul3A_2 = arith.muli %add3A, %mul3A_1 : i32
    %mul3A_3 = arith.constant 256 : i32
    %mul3A_4 = arith.muli %add3A, %mul3A_3 : i32
    "tpu.region"() ({
      %run_scoped3A = tpu.sem_alloc : memref<!tpu.dma_semaphore, #tpu.memory_space<semaphore_mem>>
      %dma_start3A_107 = arith.constant 0 : i32
      %dma_start3A_108 = tpu.memref_slice %arg3[%mul3A_4, %dma_start3A_107] : memref<8192x100xi32, #tpu.memory_space<hbm>> -> memref<256x100xi32, #tpu.memory_space<hbm>>
      %dma_start3A_109 = arith.constant 0 : i32
      %dma_start3A_110 = tpu.memref_slice %arg3[%mul3A_4, %dma_start3A_109] : memref<8192x100xi32, #tpu.memory_space<hbm>> -> memref<256x100xi32, #tpu.memory_space<hbm>>
      tpu.enqueue_dma source(%dma_start3A_110 : memref<256x100xi32, #tpu.memory_space<hbm>>) target(%arg6 : memref<256x100xi32, #tpu.memory_space<vmem>>) target_semaphore(%run_scoped3A : memref<!tpu.dma_semaphore, #tpu.memory_space<semaphore_mem>>)
      %dma_wait3A = arith.constant 0 : i32
      %dma_wait3A_111 = tpu.memref_slice %arg3[%mul3A_4, %dma_wait3A] : memref<8192x100xi32, #tpu.memory_space<hbm>> -> memref<256x100xi32, #tpu.memory_space<hbm>>
      %dma_wait3A_112 = arith.constant 0 : i32
      %dma_wait3A_113 = tpu.memref_slice %arg3[%mul3A_4, %dma_wait3A_112] : memref<8192x100xi32, #tpu.memory_space<hbm>> -> memref<256x100xi32, #tpu.memory_space<hbm>>
      tpu.wait_dma2 semaphore(%run_scoped3A : memref<!tpu.dma_semaphore, #tpu.memory_space<semaphore_mem>>) src(%dma_wait3A_113 : memref<256x100xi32, #tpu.memory_space<hbm>>) dst(%arg6 : memref<256x100xi32, #tpu.memory_space<vmem>>)
      tpu.yield
    }) : () -> ()
    %dma_start3A = arith.constant 0 : i32
    %dma_start3A_5 = arith.constant 0 : i32
    %dma_start3A_6 = arith.constant 0 : i32
    %dma_start3A_7 = arith.constant 0 : i32
    %dma_start3A_8 = tpu.memref_slice %arg7[%dma_start3A_5, %dma_start3A_6, %dma_start3A_7] : memref<8x100x32xf32, #tpu.memory_space<vmem>> -> memref<1x100x32xf32, #tpu.memory_space<vmem>>
    %dma_start3A_9 = tpu.memref_squeeze %dma_start3A_8 : memref<1x100x32xf32, #tpu.memory_space<vmem>> -> memref<100x32xf32, #tpu.memory_space<vmem>>
    %dma_start3A_10 = arith.constant 0 : i32
    %dma_start3A_11 = tpu.memref_slice %arg6[%dma_start3A, %dma_start3A_10] : memref<256x100xi32, #tpu.memory_space<vmem>> -> memref<1x100xi32, #tpu.memory_space<vmem>>
    %dma_start3A_12 = tpu.memref_squeeze %dma_start3A_11 : memref<1x100xi32, #tpu.memory_space<vmem>> -> memref<100xi32, #tpu.memory_space<vmem>>
    %dma_start3A_13 = arith.constant 0 : i32
    %dma_start3A_14 = arith.constant 0 : i32
    %dma_start3A_15 = tpu.memref_slice %arg2[%dma_start3A_13, %dma_start3A_14] : memref<100000x32xf32, #tpu.memory_space<hbm>> -> memref<100000x32xf32, #tpu.memory_space<hbm>>
    tpu.enqueue_indirect_dma source(%dma_start3A_15 : memref<100000x32xf32, #tpu.memory_space<hbm>>) target(%dma_start3A_9 : memref<100x32xf32, #tpu.memory_space<vmem>>) offsets(%dma_start3A_12 : memref<100xi32, #tpu.memory_space<vmem>>) semaphore(%arg10 : memref<!tpu.dma_semaphore, #tpu.memory_space<semaphore_mem>>)
    %dma_start3A_16 = arith.constant 1 : i32
    %dma_start3A_17 = arith.constant 1 : i32
    %dma_start3A_18 = arith.constant 0 : i32
    %dma_start3A_19 = arith.constant 0 : i32
    %dma_start3A_20 = tpu.memref_slice %arg7[%dma_start3A_17, %dma_start3A_18, %dma_start3A_19] : memref<8x100x32xf32, #tpu.memory_space<vmem>> -> memref<1x100x32xf32, #tpu.memory_space<vmem>>
    %dma_start3A_21 = tpu.memref_squeeze %dma_start3A_20 : memref<1x100x32xf32, #tpu.memory_space<vmem>> -> memref<100x32xf32, #tpu.memory_space<vmem>>
    %dma_start3A_22 = arith.constant 0 : i32
    %dma_start3A_23 = tpu.memref_slice %arg6[%dma_start3A_16, %dma_start3A_22] : memref<256x100xi32, #tpu.memory_space<vmem>> -> memref<1x100xi32, #tpu.memory_space<vmem>>
    %dma_start3A_24 = tpu.memref_squeeze %dma_start3A_23 : memref<1x100xi32, #tpu.memory_space<vmem>> -> memref<100xi32, #tpu.memory_space<vmem>>
    %dma_start3A_25 = arith.constant 0 : i32
    %dma_start3A_26 = arith.constant 0 : i32
    %dma_start3A_27 = tpu.memref_slice %arg2[%dma_start3A_25, %dma_start3A_26] : memref<100000x32xf32, #tpu.memory_space<hbm>> -> memref<100000x32xf32, #tpu.memory_space<hbm>>
    tpu.enqueue_indirect_dma source(%dma_start3A_27 : memref<100000x32xf32, #tpu.memory_space<hbm>>) target(%dma_start3A_21 : memref<100x32xf32, #tpu.memory_space<vmem>>) offsets(%dma_start3A_24 : memref<100xi32, #tpu.memory_space<vmem>>) semaphore(%arg11 : memref<!tpu.dma_semaphore, #tpu.memory_space<semaphore_mem>>)
    %dma_start3A_28 = arith.constant 2 : i32
    %dma_start3A_29 = arith.constant 2 : i32
    %dma_start3A_30 = arith.constant 0 : i32
    %dma_start3A_31 = arith.constant 0 : i32
    %dma_start3A_32 = tpu.memref_slice %arg7[%dma_start3A_29, %dma_start3A_30, %dma_start3A_31] : memref<8x100x32xf32, #tpu.memory_space<vmem>> -> memref<1x100x32xf32, #tpu.memory_space<vmem>>
    %dma_start3A_33 = tpu.memref_squeeze %dma_start3A_32 : memref<1x100x32xf32, #tpu.memory_space<vmem>> -> memref<100x32xf32, #tpu.memory_space<vmem>>
    %dma_start3A_34 = arith.constant 0 : i32
    %dma_start3A_35 = tpu.memref_slice %arg6[%dma_start3A_28, %dma_start3A_34] : memref<256x100xi32, #tpu.memory_space<vmem>> -> memref<1x100xi32, #tpu.memory_space<vmem>>
    %dma_start3A_36 = tpu.memref_squeeze %dma_start3A_35 : memref<1x100xi32, #tpu.memory_space<vmem>> -> memref<100xi32, #tpu.memory_space<vmem>>
    %dma_start3A_37 = arith.constant 0 : i32
    %dma_start3A_38 = arith.constant 0 : i32
    %dma_start3A_39 = tpu.memref_slice %arg2[%dma_start3A_37, %dma_start3A_38] : memref<100000x32xf32, #tpu.memory_space<hbm>> -> memref<100000x32xf32, #tpu.memory_space<hbm>>
    tpu.enqueue_indirect_dma source(%dma_start3A_39 : memref<100000x32xf32, #tpu.memory_space<hbm>>) target(%dma_start3A_33 : memref<100x32xf32, #tpu.memory_space<vmem>>) offsets(%dma_start3A_36 : memref<100xi32, #tpu.memory_space<vmem>>) semaphore(%arg12 : memref<!tpu.dma_semaphore, #tpu.memory_space<semaphore_mem>>)
    %dma_start3A_40 = arith.constant 3 : i32
    %dma_start3A_41 = arith.constant 3 : i32
    %dma_start3A_42 = arith.constant 0 : i32
    %dma_start3A_43 = arith.constant 0 : i32
    %dma_start3A_44 = tpu.memref_slice %arg7[%dma_start3A_41, %dma_start3A_42, %dma_start3A_43] : memref<8x100x32xf32, #tpu.memory_space<vmem>> -> memref<1x100x32xf32, #tpu.memory_space<vmem>>
    %dma_start3A_45 = tpu.memref_squeeze %dma_start3A_44 : memref<1x100x32xf32, #tpu.memory_space<vmem>> -> memref<100x32xf32, #tpu.memory_space<vmem>>
    %dma_start3A_46 = arith.constant 0 : i32
    %dma_start3A_47 = tpu.memref_slice %arg6[%dma_start3A_40, %dma_start3A_46] : memref<256x100xi32, #tpu.memory_space<vmem>> -> memref<1x100xi32, #tpu.memory_space<vmem>>
    %dma_start3A_48 = tpu.memref_squeeze %dma_start3A_47 : memref<1x100xi32, #tpu.memory_space<vmem>> -> memref<100xi32, #tpu.memory_space<vmem>>
    %dma_start3A_49 = arith.constant 0 : i32
    %dma_start3A_50 = arith.constant 0 : i32
    %dma_start3A_51 = tpu.memref_slice %arg2[%dma_start3A_49, %dma_start3A_50] : memref<100000x32xf32, #tpu.memory_space<hbm>> -> memref<100000x32xf32, #tpu.memory_space<hbm>>
    tpu.enqueue_indirect_dma source(%dma_start3A_51 : memref<100000x32xf32, #tpu.memory_space<hbm>>) target(%dma_start3A_45 : memref<100x32xf32, #tpu.memory_space<vmem>>) offsets(%dma_start3A_48 : memref<100xi32, #tpu.memory_space<vmem>>) semaphore(%arg13 : memref<!tpu.dma_semaphore, #tpu.memory_space<semaphore_mem>>)
    %dma_start3A_52 = arith.constant 4 : i32
    %dma_start3A_53 = arith.constant 4 : i32
    %dma_start3A_54 = arith.constant 0 : i32
    %dma_start3A_55 = arith.constant 0 : i32
    %dma_start3A_56 = tpu.memref_slice %arg7[%dma_start3A_53, %dma_start3A_54, %dma_start3A_55] : memref<8x100x32xf32, #tpu.memory_space<vmem>> -> memref<1x100x32xf32, #tpu.memory_space<vmem>>
    %dma_start3A_57 = tpu.memref_squeeze %dma_start3A_56 : memref<1x100x32xf32, #tpu.memory_space<vmem>> -> memref<100x32xf32, #tpu.memory_space<vmem>>
    %dma_start3A_58 = arith.constant 0 : i32
    %dma_start3A_59 = tpu.memref_slice %arg6[%dma_start3A_52, %dma_start3A_58] : memref<256x100xi32, #tpu.memory_space<vmem>> -> memref<1x100xi32, #tpu.memory_space<vmem>>
    %dma_start3A_60 = tpu.memref_squeeze %dma_start3A_59 : memref<1x100xi32, #tpu.memory_space<vmem>> -> memref<100xi32, #tpu.memory_space<vmem>>
    %dma_start3A_61 = arith.constant 0 : i32
    %dma_start3A_62 = arith.constant 0 : i32
    %dma_start3A_63 = tpu.memref_slice %arg2[%dma_start3A_61, %dma_start3A_62] : memref<100000x32xf32, #tpu.memory_space<hbm>> -> memref<100000x32xf32, #tpu.memory_space<hbm>>
    tpu.enqueue_indirect_dma source(%dma_start3A_63 : memref<100000x32xf32, #tpu.memory_space<hbm>>) target(%dma_start3A_57 : memref<100x32xf32, #tpu.memory_space<vmem>>) offsets(%dma_start3A_60 : memref<100xi32, #tpu.memory_space<vmem>>) semaphore(%arg14 : memref<!tpu.dma_semaphore, #tpu.memory_space<semaphore_mem>>)
    %dma_start3A_64 = arith.constant 5 : i32
    %dma_start3A_65 = arith.constant 5 : i32
    %dma_start3A_66 = arith.constant 0 : i32
    %dma_start3A_67 = arith.constant 0 : i32
    %dma_start3A_68 = tpu.memref_slice %arg7[%dma_start3A_65, %dma_start3A_66, %dma_start3A_67] : memref<8x100x32xf32, #tpu.memory_space<vmem>> -> memref<1x100x32xf32, #tpu.memory_space<vmem>>
    %dma_start3A_69 = tpu.memref_squeeze %dma_start3A_68 : memref<1x100x32xf32, #tpu.memory_space<vmem>> -> memref<100x32xf32, #tpu.memory_space<vmem>>
    %dma_start3A_70 = arith.constant 0 : i32
    %dma_start3A_71 = tpu.memref_slice %arg6[%dma_start3A_64, %dma_start3A_70] : memref<256x100xi32, #tpu.memory_space<vmem>> -> memref<1x100xi32, #tpu.memory_space<vmem>>
    %dma_start3A_72 = tpu.memref_squeeze %dma_start3A_71 : memref<1x100xi32, #tpu.memory_space<vmem>> -> memref<100xi32, #tpu.memory_space<vmem>>
    %dma_start3A_73 = arith.constant 0 : i32
    %dma_start3A_74 = arith.constant 0 : i32
    %dma_start3A_75 = tpu.memref_slice %arg2[%dma_start3A_73, %dma_start3A_74] : memref<100000x32xf32, #tpu.memory_space<hbm>> -> memref<100000x32xf32, #tpu.memory_space<hbm>>
    tpu.enqueue_indirect_dma source(%dma_start3A_75 : memref<100000x32xf32, #tpu.memory_space<hbm>>) target(%dma_start3A_69 : memref<100x32xf32, #tpu.memory_space<vmem>>) offsets(%dma_start3A_72 : memref<100xi32, #tpu.memory_space<vmem>>) semaphore(%arg15 : memref<!tpu.dma_semaphore, #tpu.memory_space<semaphore_mem>>)
    %dma_start3A_76 = arith.constant 6 : i32
    %dma_start3A_77 = arith.constant 6 : i32
    %dma_start3A_78 = arith.constant 0 : i32
    %dma_start3A_79 = arith.constant 0 : i32
    %dma_start3A_80 = tpu.memref_slice %arg7[%dma_start3A_77, %dma_start3A_78, %dma_start3A_79] : memref<8x100x32xf32, #tpu.memory_space<vmem>> -> memref<1x100x32xf32, #tpu.memory_space<vmem>>
    %dma_start3A_81 = tpu.memref_squeeze %dma_start3A_80 : memref<1x100x32xf32, #tpu.memory_space<vmem>> -> memref<100x32xf32, #tpu.memory_space<vmem>>
    %dma_start3A_82 = arith.constant 0 : i32
    %dma_start3A_83 = tpu.memref_slice %arg6[%dma_start3A_76, %dma_start3A_82] : memref<256x100xi32, #tpu.memory_space<vmem>> -> memref<1x100xi32, #tpu.memory_space<vmem>>
    %dma_start3A_84 = tpu.memref_squeeze %dma_start3A_83 : memref<1x100xi32, #tpu.memory_space<vmem>> -> memref<100xi32, #tpu.memory_space<vmem>>
    %dma_start3A_85 = arith.constant 0 : i32
    %dma_start3A_86 = arith.constant 0 : i32
    %dma_start3A_87 = tpu.memref_slice %arg2[%dma_start3A_85, %dma_start3A_86] : memref<100000x32xf32, #tpu.memory_space<hbm>> -> memref<100000x32xf32, #tpu.memory_space<hbm>>
    tpu.enqueue_indirect_dma source(%dma_start3A_87 : memref<100000x32xf32, #tpu.memory_space<hbm>>) target(%dma_start3A_81 : memref<100x32xf32, #tpu.memory_space<vmem>>) offsets(%dma_start3A_84 : memref<100xi32, #tpu.memory_space<vmem>>) semaphore(%arg16 : memref<!tpu.dma_semaphore, #tpu.memory_space<semaphore_mem>>)
    %dma_start3A_88 = arith.constant 7 : i32
    %dma_start3A_89 = arith.constant 7 : i32
    %dma_start3A_90 = arith.constant 0 : i32
    %dma_start3A_91 = arith.constant 0 : i32
    %dma_start3A_92 = tpu.memref_slice %arg7[%dma_start3A_89, %dma_start3A_90, %dma_start3A_91] : memref<8x100x32xf32, #tpu.memory_space<vmem>> -> memref<1x100x32xf32, #tpu.memory_space<vmem>>
    %dma_start3A_93 = tpu.memref_squeeze %dma_start3A_92 : memref<1x100x32xf32, #tpu.memory_space<vmem>> -> memref<100x32xf32, #tpu.memory_space<vmem>>
    %dma_start3A_94 = arith.constant 0 : i32
    %dma_start3A_95 = tpu.memref_slice %arg6[%dma_start3A_88, %dma_start3A_94] : memref<256x100xi32, #tpu.memory_space<vmem>> -> memref<1x100xi32, #tpu.memory_space<vmem>>
    %dma_start3A_96 = tpu.memref_squeeze %dma_start3A_95 : memref<1x100xi32, #tpu.memory_space<vmem>> -> memref<100xi32, #tpu.memory_space<vmem>>
    %dma_start3A_97 = arith.constant 0 : i32
    %dma_start3A_98 = arith.constant 0 : i32
    %dma_start3A_99 = tpu.memref_slice %arg2[%dma_start3A_97, %dma_start3A_98] : memref<100000x32xf32, #tpu.memory_space<hbm>> -> memref<100000x32xf32, #tpu.memory_space<hbm>>
    tpu.enqueue_indirect_dma source(%dma_start3A_99 : memref<100000x32xf32, #tpu.memory_space<hbm>>) target(%dma_start3A_93 : memref<100x32xf32, #tpu.memory_space<vmem>>) offsets(%dma_start3A_96 : memref<100xi32, #tpu.memory_space<vmem>>) semaphore(%arg17 : memref<!tpu.dma_semaphore, #tpu.memory_space<semaphore_mem>>)
    %broadcast_in_dim3A = arith.constant 0.000000e+00 : f32
    %broadcast_in_dim3A_100 = vector.broadcast %broadcast_in_dim3A : f32 to vector<16xf32>
    %scan3A = arith.constant 0 : i32
    %scan3A_101 = arith.constant 0 : i32
    %scan3A_102 = arith.constant 32 : i32
    %scan3A_103 = arith.addi %scan3A_101, %scan3A_102 : i32
    %scan3A_104 = arith.constant 1 : i32
    %scan3A_105 = scf.for %scan3A_107 = %scan3A_101 to %scan3A_103 step %scan3A_104 iter_args(%scan3A_108 = %scan3A) -> (i32)  : i32 {
      %mul3A_109 = arith.constant 8 : i32
      %mul3A_110 = arith.muli %scan3A_107, %mul3A_109 : i32
      %add3A_111 = arith.constant 0 : i32
      %add3A_112 = arith.addi %mul3A_110, %add3A_111 : i32
      %dma_wait3A = arith.constant 0 : i32
      %dma_wait3A_113 = arith.constant 0 : i32
      %dma_wait3A_114 = arith.constant 0 : i32
      %dma_wait3A_115 = tpu.memref_slice %arg7[%dma_wait3A, %dma_wait3A_113, %dma_wait3A_114] : memref<8x100x32xf32, #tpu.memory_space<vmem>> -> memref<1x100x32xf32, #tpu.memory_space<vmem>>
      %dma_wait3A_116 = tpu.memref_squeeze %dma_wait3A_115 : memref<1x100x32xf32, #tpu.memory_space<vmem>> -> memref<100x32xf32, #tpu.memory_space<vmem>>
      %dma_wait3A_117 = arith.constant 0 : i32
      %dma_wait3A_118 = tpu.memref_slice %arg6[%add3A_112, %dma_wait3A_117] : memref<256x100xi32, #tpu.memory_space<vmem>> -> memref<1x100xi32, #tpu.memory_space<vmem>>
      %dma_wait3A_119 = tpu.memref_squeeze %dma_wait3A_118 : memref<1x100xi32, #tpu.memory_space<vmem>> -> memref<100xi32, #tpu.memory_space<vmem>>
      %dma_wait3A_120 = arith.constant 0 : i32
      %dma_wait3A_121 = arith.constant 0 : i32
      %dma_wait3A_122 = tpu.memref_slice %arg2[%dma_wait3A_120, %dma_wait3A_121] : memref<100000x32xf32, #tpu.memory_space<hbm>> -> memref<100000x32xf32, #tpu.memory_space<hbm>>
      tpu.wait_indirect_dma semaphore(%arg10 : memref<!tpu.dma_semaphore, #tpu.memory_space<semaphore_mem>>) src(%dma_wait3A_122 : memref<100000x32xf32, #tpu.memory_space<hbm>>) dst(%dma_wait3A_116 : memref<100x32xf32, #tpu.memory_space<vmem>>)
      %parallel_loop3A = arith.constant 0 : i32
      %parallel_loop3A_123 = arith.constant 50 : i32
      %parallel_loop3A_124 = arith.constant 1 : i32
      %parallel_loop3A_125:3 = scf.for %parallel_loop3A_648 = %parallel_loop3A to %parallel_loop3A_123 step %parallel_loop3A_124 iter_args(%parallel_loop3A_649 = %broadcast_in_dim3A_100, %parallel_loop3A_650 = %broadcast_in_dim3A_100, %parallel_loop3A_651 = %broadcast_in_dim3A_100) -> (vector<16xf32>, vector<16xf32>, vector<16xf32>)  : i32 {
        %parallel_loop3A_652 = arith.constant 0 : i32
        %parallel_loop3A_653 = arith.index_cast %parallel_loop3A_652 : i32 to index
        %parallel_loop3A_654 = arith.index_cast %parallel_loop3A_648 : i32 to index
        %parallel_loop3A_655 = arith.constant 0 : index
        %parallel_loop3A_656 = tpu.vector_load %arg7[%parallel_loop3A_653, %parallel_loop3A_654, %parallel_loop3A_655] {strides = array<i32>} : memref<8x100x32xf32, #tpu.memory_space<vmem>>, vector<1x1x16xf32>,
        %parallel_loop3A_657 = vector.shape_cast %parallel_loop3A_656 : vector<1x1x16xf32> to vector<16xf32>
        %parallel_loop3A_658 = arith.constant 0 : i32
        %parallel_loop3A_659 = arith.index_cast %parallel_loop3A_658 : i32 to index
        %parallel_loop3A_660 = arith.index_cast %parallel_loop3A_648 : i32 to index
        %parallel_loop3A_661 = arith.constant 16 : index
        %parallel_loop3A_662 = tpu.vector_load %arg7[%parallel_loop3A_659, %parallel_loop3A_660, %parallel_loop3A_661] {strides = array<i32>} : memref<8x100x32xf32, #tpu.memory_space<vmem>>, vector<1x1x16xf32>,
        %parallel_loop3A_663 = vector.shape_cast %parallel_loop3A_662 : vector<1x1x16xf32> to vector<16xf32>
        %parallel_loop3A_664 = arith.addf %parallel_loop3A_649, %parallel_loop3A_657 : vector<16xf32>
        %parallel_loop3A_665 = arith.addf %parallel_loop3A_650, %parallel_loop3A_663 : vector<16xf32>
        %parallel_loop3A_666 = arith.mulf %parallel_loop3A_657, %parallel_loop3A_657 : vector<16xf32>
        %parallel_loop3A_667 = arith.addf %parallel_loop3A_651, %parallel_loop3A_666 : vector<16xf32>
        %parallel_loop3A_668 = arith.mulf %parallel_loop3A_663, %parallel_loop3A_663 : vector<16xf32>
        %parallel_loop3A_669 = arith.addf %parallel_loop3A_667, %parallel_loop3A_668 : vector<16xf32>
        scf.yield %parallel_loop3A_664, %parallel_loop3A_665, %parallel_loop3A_669 : vector<16xf32>, vector<16xf32>, vector<16xf32>
      } {sc.loop_unroll_factor = 10 : i64, sc.parallel_access}
      %mul3A_126 = arith.constant 2 : i32
      %mul3A_127 = arith.muli %add3A_112, %mul3A_126 : i32
      %add3A_128 = arith.constant 0 : i32
      %add3A_129 = arith.addi %mul3A_127, %add3A_128 : i32
      %swap3A = arith.index_cast %add3A_129 : i32 to index
      %swap3A_130 = arith.constant 0 : index
      %swap3A_131 = tpu.vector_load %arg8[%swap3A, %swap3A_130] {strides = array<i32>} : memref<512x32xf32, #tpu.memory_space<vmem>>, vector<1x16xf32>,
      %swap3A_132 = vector.shape_cast %swap3A_131 : vector<1x16xf32> to vector<16xf32>
      %swap3A_133 = vector.shape_cast %parallel_loop3A_125#0 : vector<16xf32> to vector<1x16xf32>
      tpu.vector_store %arg8[%swap3A, %swap3A_130], %swap3A_133 {strides = array<i32>} : memref<512x32xf32, #tpu.memory_space<vmem>>, vector<1x16xf32>,
      %swap3A_134 = arith.index_cast %add3A_129 : i32 to index
      %swap3A_135 = arith.constant 16 : index
      %swap3A_136 = tpu.vector_load %arg8[%swap3A_134, %swap3A_135] {strides = array<i32>} : memref<512x32xf32, #tpu.memory_space<vmem>>, vector<1x16xf32>,
      %swap3A_137 = vector.shape_cast %swap3A_136 : vector<1x16xf32> to vector<16xf32>
      %swap3A_138 = vector.shape_cast %parallel_loop3A_125#1 : vector<16xf32> to vector<1x16xf32>
      tpu.vector_store %arg8[%swap3A_134, %swap3A_135], %swap3A_138 {strides = array<i32>} : memref<512x32xf32, #tpu.memory_space<vmem>>, vector<1x16xf32>,
      %swap3A_139 = arith.index_cast %add3A_129 : i32 to index
      %swap3A_140 = arith.constant 0 : index
      %swap3A_141 = tpu.vector_load %arg9[%swap3A_139, %swap3A_140] {strides = array<i32>} : memref<512x16xf32, #tpu.memory_space<vmem>>, vector<1x16xf32>,
      %swap3A_142 = vector.shape_cast %swap3A_141 : vector<1x16xf32> to vector<16xf32>
      %swap3A_143 = vector.shape_cast %parallel_loop3A_125#2 : vector<16xf32> to vector<1x16xf32>
      tpu.vector_store %arg9[%swap3A_139, %swap3A_140], %swap3A_143 {strides = array<i32>} : memref<512x16xf32, #tpu.memory_space<vmem>>, vector<1x16xf32>,
      %parallel_loop3A_144 = arith.constant 50 : i32
      %parallel_loop3A_145 = arith.constant 100 : i32
      %parallel_loop3A_146 = arith.constant 1 : i32
      %parallel_loop3A_147:3 = scf.for %parallel_loop3A_648 = %parallel_loop3A_144 to %parallel_loop3A_145 step %parallel_loop3A_146 iter_args(%parallel_loop3A_649 = %broadcast_in_dim3A_100, %parallel_loop3A_650 = %broadcast_in_dim3A_100, %parallel_loop3A_651 = %broadcast_in_dim3A_100) -> (vector<16xf32>, vector<16xf32>, vector<16xf32>)  : i32 {
        %parallel_loop3A_652 = arith.constant 0 : i32
        %parallel_loop3A_653 = arith.index_cast %parallel_loop3A_652 : i32 to index
        %parallel_loop3A_654 = arith.index_cast %parallel_loop3A_648 : i32 to index
        %parallel_loop3A_655 = arith.constant 0 : index
        %parallel_loop3A_656 = tpu.vector_load %arg7[%parallel_loop3A_653, %parallel_loop3A_654, %parallel_loop3A_655] {strides = array<i32>} : memref<8x100x32xf32, #tpu.memory_space<vmem>>, vector<1x1x16xf32>,
        %parallel_loop3A_657 = vector.shape_cast %parallel_loop3A_656 : vector<1x1x16xf32> to vector<16xf32>
        %parallel_loop3A_658 = arith.constant 0 : i32
        %parallel_loop3A_659 = arith.index_cast %parallel_loop3A_658 : i32 to index
        %parallel_loop3A_660 = arith.index_cast %parallel_loop3A_648 : i32 to index
        %parallel_loop3A_661 = arith.constant 16 : index
        %parallel_loop3A_662 = tpu.vector_load %arg7[%parallel_loop3A_659, %parallel_loop3A_660, %parallel_loop3A_661] {strides = array<i32>} : memref<8x100x32xf32, #tpu.memory_space<vmem>>, vector<1x1x16xf32>,
        %parallel_loop3A_663 = vector.shape_cast %parallel_loop3A_662 : vector<1x1x16xf32> to vector<16xf32>
        %parallel_loop3A_664 = arith.addf %parallel_loop3A_649, %parallel_loop3A_657 : vector<16xf32>
        %parallel_loop3A_665 = arith.addf %parallel_loop3A_650, %parallel_loop3A_663 : vector<16xf32>
        %parallel_loop3A_666 = arith.mulf %parallel_loop3A_657, %parallel_loop3A_657 : vector<16xf32>
        %parallel_loop3A_667 = arith.addf %parallel_loop3A_651, %parallel_loop3A_666 : vector<16xf32>
        %parallel_loop3A_668 = arith.mulf %parallel_loop3A_663, %parallel_loop3A_663 : vector<16xf32>
        %parallel_loop3A_669 = arith.addf %parallel_loop3A_667, %parallel_loop3A_668 : vector<16xf32>
        scf.yield %parallel_loop3A_664, %parallel_loop3A_665, %parallel_loop3A_669 : vector<16xf32>, vector<16xf32>, vector<16xf32>
      } {sc.loop_unroll_factor = 10 : i64, sc.parallel_access}
      %mul3A_148 = arith.constant 2 : i32
      %mul3A_149 = arith.muli %add3A_112, %mul3A_148 : i32
      %add3A_150 = arith.constant 1 : i32
      %add3A_151 = arith.addi %mul3A_149, %add3A_150 : i32
      %swap3A_152 = arith.index_cast %add3A_151 : i32 to index
      %swap3A_153 = arith.constant 0 : index
      %swap3A_154 = tpu.vector_load %arg8[%swap3A_152, %swap3A_153] {strides = array<i32>} : memref<512x32xf32, #tpu.memory_space<vmem>>, vector<1x16xf32>,
      %swap3A_155 = vector.shape_cast %swap3A_154 : vector<1x16xf32> to vector<16xf32>
      %swap3A_156 = vector.shape_cast %parallel_loop3A_147#0 : vector<16xf32> to vector<1x16xf32>
      tpu.vector_store %arg8[%swap3A_152, %swap3A_153], %swap3A_156 {strides = array<i32>} : memref<512x32xf32, #tpu.memory_space<vmem>>, vector<1x16xf32>,
      %swap3A_157 = arith.index_cast %add3A_151 : i32 to index
      %swap3A_158 = arith.constant 16 : index
      %swap3A_159 = tpu.vector_load %arg8[%swap3A_157, %swap3A_158] {strides = array<i32>} : memref<512x32xf32, #tpu.memory_space<vmem>>, vector<1x16xf32>,
      %swap3A_160 = vector.shape_cast %swap3A_159 : vector<1x16xf32> to vector<16xf32>
      %swap3A_161 = vector.shape_cast %parallel_loop3A_147#1 : vector<16xf32> to vector<1x16xf32>
      tpu.vector_store %arg8[%swap3A_157, %swap3A_158], %swap3A_161 {strides = array<i32>} : memref<512x32xf32, #tpu.memory_space<vmem>>, vector<1x16xf32>,
      %swap3A_162 = arith.index_cast %add3A_151 : i32 to index
      %swap3A_163 = arith.constant 0 : index
      %swap3A_164 = tpu.vector_load %arg9[%swap3A_162, %swap3A_163] {strides = array<i32>} : memref<512x16xf32, #tpu.memory_space<vmem>>, vector<1x16xf32>,
      %swap3A_165 = vector.shape_cast %swap3A_164 : vector<1x16xf32> to vector<16xf32>
      %swap3A_166 = vector.shape_cast %parallel_loop3A_147#2 : vector<16xf32> to vector<1x16xf32>
      tpu.vector_store %arg9[%swap3A_162, %swap3A_163], %swap3A_166 {strides = array<i32>} : memref<512x16xf32, #tpu.memory_space<vmem>>, vector<1x16xf32>,
      %add3A_167 = arith.constant 8 : i32
      %add3A_168 = arith.addi %add3A_112, %add3A_167 : i32
      %lt3A = arith.constant 256 : i32
      %lt3A_169 = arith.cmpi slt, %add3A_168, %lt3A : i32
      %convert_element_type3A = arith.extui %lt3A_169 : i1 to i32
      %cond3A = arith.constant 0 : i32
      %cond3A_170 = arith.cmpi ne, %convert_element_type3A, %cond3A : i32
      scf.if %cond3A_170 {
        %dma_start3A_648 = arith.constant 0 : i32
        %dma_start3A_649 = arith.constant 0 : i32
        %dma_start3A_650 = arith.constant 0 : i32
        %dma_start3A_651 = tpu.memref_slice %arg7[%dma_start3A_648, %dma_start3A_649, %dma_start3A_650] : memref<8x100x32xf32, #tpu.memory_space<vmem>> -> memref<1x100x32xf32, #tpu.memory_space<vmem>>
        %dma_start3A_652 = tpu.memref_squeeze %dma_start3A_651 : memref<1x100x32xf32, #tpu.memory_space<vmem>> -> memref<100x32xf32, #tpu.memory_space<vmem>>
        %dma_start3A_653 = arith.constant 0 : i32
        %dma_start3A_654 = tpu.memref_slice %arg6[%add3A_168, %dma_start3A_653] : memref<256x100xi32, #tpu.memory_space<vmem>> -> memref<1x100xi32, #tpu.memory_space<vmem>>
        %dma_start3A_655 = tpu.memref_squeeze %dma_start3A_654 : memref<1x100xi32, #tpu.memory_space<vmem>> -> memref<100xi32, #tpu.memory_space<vmem>>
        %dma_start3A_656 = arith.constant 0 : i32
        %dma_start3A_657 = arith.constant 0 : i32
        %dma_start3A_658 = tpu.memref_slice %arg2[%dma_start3A_656, %dma_start3A_657] : memref<100000x32xf32, #tpu.memory_space<hbm>> -> memref<100000x32xf32, #tpu.memory_space<hbm>>
        tpu.enqueue_indirect_dma source(%dma_start3A_658 : memref<100000x32xf32, #tpu.memory_space<hbm>>) target(%dma_start3A_652 : memref<100x32xf32, #tpu.memory_space<vmem>>) offsets(%dma_start3A_655 : memref<100xi32, #tpu.memory_space<vmem>>) semaphore(%arg10 : memref<!tpu.dma_semaphore, #tpu.memory_space<semaphore_mem>>)
      } else {
      }
      %mul3A_171 = arith.constant 8 : i32
      %mul3A_172 = arith.muli %scan3A_107, %mul3A_171 : i32
      %add3A_173 = arith.constant 1 : i32
      %add3A_174 = arith.addi %mul3A_172, %add3A_173 : i32
      %dma_wait3A_175 = arith.constant 1 : i32
      %dma_wait3A_176 = arith.constant 0 : i32
      %dma_wait3A_177 = arith.constant 0 : i32
      %dma_wait3A_178 = tpu.memref_slice %arg7[%dma_wait3A_175, %dma_wait3A_176, %dma_wait3A_177] : memref<8x100x32xf32, #tpu.memory_space<vmem>> -> memref<1x100x32xf32, #tpu.memory_space<vmem>>
      %dma_wait3A_179 = tpu.memref_squeeze %dma_wait3A_178 : memref<1x100x32xf32, #tpu.memory_space<vmem>> -> memref<100x32xf32, #tpu.memory_space<vmem>>
      %dma_wait3A_180 = arith.constant 0 : i32
      %dma_wait3A_181 = tpu.memref_slice %arg6[%add3A_174, %dma_wait3A_180] : memref<256x100xi32, #tpu.memory_space<vmem>> -> memref<1x100xi32, #tpu.memory_space<vmem>>
      %dma_wait3A_182 = tpu.memref_squeeze %dma_wait3A_181 : memref<1x100xi32, #tpu.memory_space<vmem>> -> memref<100xi32, #tpu.memory_space<vmem>>
      %dma_wait3A_183 = arith.constant 0 : i32
      %dma_wait3A_184 = arith.constant 0 : i32
      %dma_wait3A_185 = tpu.memref_slice %arg2[%dma_wait3A_183, %dma_wait3A_184] : memref<100000x32xf32, #tpu.memory_space<hbm>> -> memref<100000x32xf32, #tpu.memory_space<hbm>>
      tpu.wait_indirect_dma semaphore(%arg11 : memref<!tpu.dma_semaphore, #tpu.memory_space<semaphore_mem>>) src(%dma_wait3A_185 : memref<100000x32xf32, #tpu.memory_space<hbm>>) dst(%dma_wait3A_179 : memref<100x32xf32, #tpu.memory_space<vmem>>)
      %parallel_loop3A_186 = arith.constant 0 : i32
      %parallel_loop3A_187 = arith.constant 50 : i32
      %parallel_loop3A_188 = arith.constant 1 : i32
      %parallel_loop3A_189:3 = scf.for %parallel_loop3A_648 = %parallel_loop3A_186 to %parallel_loop3A_187 step %parallel_loop3A_188 iter_args(%parallel_loop3A_649 = %broadcast_in_dim3A_100, %parallel_loop3A_650 = %broadcast_in_dim3A_100, %parallel_loop3A_651 = %broadcast_in_dim3A_100) -> (vector<16xf32>, vector<16xf32>, vector<16xf32>)  : i32 {
        %parallel_loop3A_652 = arith.constant 1 : i32
        %parallel_loop3A_653 = arith.index_cast %parallel_loop3A_652 : i32 to index
        %parallel_loop3A_654 = arith.index_cast %parallel_loop3A_648 : i32 to index
        %parallel_loop3A_655 = arith.constant 0 : index
        %parallel_loop3A_656 = tpu.vector_load %arg7[%parallel_loop3A_653, %parallel_loop3A_654, %parallel_loop3A_655] {strides = array<i32>} : memref<8x100x32xf32, #tpu.memory_space<vmem>>, vector<1x1x16xf32>,
        %parallel_loop3A_657 = vector.shape_cast %parallel_loop3A_656 : vector<1x1x16xf32> to vector<16xf32>
        %parallel_loop3A_658 = arith.constant 1 : i32
        %parallel_loop3A_659 = arith.index_cast %parallel_loop3A_658 : i32 to index
        %parallel_loop3A_660 = arith.index_cast %parallel_loop3A_648 : i32 to index
        %parallel_loop3A_661 = arith.constant 16 : index
        %parallel_loop3A_662 = tpu.vector_load %arg7[%parallel_loop3A_659, %parallel_loop3A_660, %parallel_loop3A_661] {strides = array<i32>} : memref<8x100x32xf32, #tpu.memory_space<vmem>>, vector<1x1x16xf32>,
        %parallel_loop3A_663 = vector.shape_cast %parallel_loop3A_662 : vector<1x1x16xf32> to vector<16xf32>
        %parallel_loop3A_664 = arith.addf %parallel_loop3A_649, %parallel_loop3A_657 : vector<16xf32>
        %parallel_loop3A_665 = arith.addf %parallel_loop3A_650, %parallel_loop3A_663 : vector<16xf32>
        %parallel_loop3A_666 = arith.mulf %parallel_loop3A_657, %parallel_loop3A_657 : vector<16xf32>
        %parallel_loop3A_667 = arith.addf %parallel_loop3A_651, %parallel_loop3A_666 : vector<16xf32>
        %parallel_loop3A_668 = arith.mulf %parallel_loop3A_663, %parallel_loop3A_663 : vector<16xf32>
        %parallel_loop3A_669 = arith.addf %parallel_loop3A_667, %parallel_loop3A_668 : vector<16xf32>
        scf.yield %parallel_loop3A_664, %parallel_loop3A_665, %parallel_loop3A_669 : vector<16xf32>, vector<16xf32>, vector<16xf32>
      } {sc.loop_unroll_factor = 10 : i64, sc.parallel_access}
      %mul3A_190 = arith.constant 2 : i32
      %mul3A_191 = arith.muli %add3A_174, %mul3A_190 : i32
      %add3A_192 = arith.constant 0 : i32
      %add3A_193 = arith.addi %mul3A_191, %add3A_192 : i32
      %swap3A_194 = arith.index_cast %add3A_193 : i32 to index
      %swap3A_195 = arith.constant 0 : index
      %swap3A_196 = tpu.vector_load %arg8[%swap3A_194, %swap3A_195] {strides = array<i32>} : memref<512x32xf32, #tpu.memory_space<vmem>>, vector<1x16xf32>,
      %swap3A_197 = vector.shape_cast %swap3A_196 : vector<1x16xf32> to vector<16xf32>
      %swap3A_198 = vector.shape_cast %parallel_loop3A_189#0 : vector<16xf32> to vector<1x16xf32>
      tpu.vector_store %arg8[%swap3A_194, %swap3A_195], %swap3A_198 {strides = array<i32>} : memref<512x32xf32, #tpu.memory_space<vmem>>, vector<1x16xf32>,
      %swap3A_199 = arith.index_cast %add3A_193 : i32 to index
      %swap3A_200 = arith.constant 16 : index
      %swap3A_201 = tpu.vector_load %arg8[%swap3A_199, %swap3A_200] {strides = array<i32>} : memref<512x32xf32, #tpu.memory_space<vmem>>, vector<1x16xf32>,
      %swap3A_202 = vector.shape_cast %swap3A_201 : vector<1x16xf32> to vector<16xf32>
      %swap3A_203 = vector.shape_cast %parallel_loop3A_189#1 : vector<16xf32> to vector<1x16xf32>
      tpu.vector_store %arg8[%swap3A_199, %swap3A_200], %swap3A_203 {strides = array<i32>} : memref<512x32xf32, #tpu.memory_space<vmem>>, vector<1x16xf32>,
      %swap3A_204 = arith.index_cast %add3A_193 : i32 to index
      %swap3A_205 = arith.constant 0 : index
      %swap3A_206 = tpu.vector_load %arg9[%swap3A_204, %swap3A_205] {strides = array<i32>} : memref<512x16xf32, #tpu.memory_space<vmem>>, vector<1x16xf32>,
      %swap3A_207 = vector.shape_cast %swap3A_206 : vector<1x16xf32> to vector<16xf32>
      %swap3A_208 = vector.shape_cast %parallel_loop3A_189#2 : vector<16xf32> to vector<1x16xf32>
      tpu.vector_store %arg9[%swap3A_204, %swap3A_205], %swap3A_208 {strides = array<i32>} : memref<512x16xf32, #tpu.memory_space<vmem>>, vector<1x16xf32>,
      %parallel_loop3A_209 = arith.constant 50 : i32
      %parallel_loop3A_210 = arith.constant 100 : i32
      %parallel_loop3A_211 = arith.constant 1 : i32
      %parallel_loop3A_212:3 = scf.for %parallel_loop3A_648 = %parallel_loop3A_209 to %parallel_loop3A_210 step %parallel_loop3A_211 iter_args(%parallel_loop3A_649 = %broadcast_in_dim3A_100, %parallel_loop3A_650 = %broadcast_in_dim3A_100, %parallel_loop3A_651 = %broadcast_in_dim3A_100) -> (vector<16xf32>, vector<16xf32>, vector<16xf32>)  : i32 {
        %parallel_loop3A_652 = arith.constant 1 : i32
        %parallel_loop3A_653 = arith.index_cast %parallel_loop3A_652 : i32 to index
        %parallel_loop3A_654 = arith.index_cast %parallel_loop3A_648 : i32 to index
        %parallel_loop3A_655 = arith.constant 0 : index
        %parallel_loop3A_656 = tpu.vector_load %arg7[%parallel_loop3A_653, %parallel_loop3A_654, %parallel_loop3A_655] {strides = array<i32>} : memref<8x100x32xf32, #tpu.memory_space<vmem>>, vector<1x1x16xf32>,
        %parallel_loop3A_657 = vector.shape_cast %parallel_loop3A_656 : vector<1x1x16xf32> to vector<16xf32>
        %parallel_loop3A_658 = arith.constant 1 : i32
        %parallel_loop3A_659 = arith.index_cast %parallel_loop3A_658 : i32 to index
        %parallel_loop3A_660 = arith.index_cast %parallel_loop3A_648 : i32 to index
        %parallel_loop3A_661 = arith.constant 16 : index
        %parallel_loop3A_662 = tpu.vector_load %arg7[%parallel_loop3A_659, %parallel_loop3A_660, %parallel_loop3A_661] {strides = array<i32>} : memref<8x100x32xf32, #tpu.memory_space<vmem>>, vector<1x1x16xf32>,
        %parallel_loop3A_663 = vector.shape_cast %parallel_loop3A_662 : vector<1x1x16xf32> to vector<16xf32>
        %parallel_loop3A_664 = arith.addf %parallel_loop3A_649, %parallel_loop3A_657 : vector<16xf32>
        %parallel_loop3A_665 = arith.addf %parallel_loop3A_650, %parallel_loop3A_663 : vector<16xf32>
        %parallel_loop3A_666 = arith.mulf %parallel_loop3A_657, %parallel_loop3A_657 : vector<16xf32>
        %parallel_loop3A_667 = arith.addf %parallel_loop3A_651, %parallel_loop3A_666 : vector<16xf32>
        %parallel_loop3A_668 = arith.mulf %parallel_loop3A_663, %parallel_loop3A_663 : vector<16xf32>
        %parallel_loop3A_669 = arith.addf %parallel_loop3A_667, %parallel_loop3A_668 : vector<16xf32>
        scf.yield %parallel_loop3A_664, %parallel_loop3A_665, %parallel_loop3A_669 : vector<16xf32>, vector<16xf32>, vector<16xf32>
      } {sc.loop_unroll_factor = 10 : i64, sc.parallel_access}
      %mul3A_213 = arith.constant 2 : i32
      %mul3A_214 = arith.muli %add3A_174, %mul3A_213 : i32
      %add3A_215 = arith.constant 1 : i32
      %add3A_216 = arith.addi %mul3A_214, %add3A_215 : i32
      %swap3A_217 = arith.index_cast %add3A_216 : i32 to index
      %swap3A_218 = arith.constant 0 : index
      %swap3A_219 = tpu.vector_load %arg8[%swap3A_217, %swap3A_218] {strides = array<i32>} : memref<512x32xf32, #tpu.memory_space<vmem>>, vector<1x16xf32>,
      %swap3A_220 = vector.shape_cast %swap3A_219 : vector<1x16xf32> to vector<16xf32>
      %swap3A_221 = vector.shape_cast %parallel_loop3A_212#0 : vector<16xf32> to vector<1x16xf32>
      tpu.vector_store %arg8[%swap3A_217, %swap3A_218], %swap3A_221 {strides = array<i32>} : memref<512x32xf32, #tpu.memory_space<vmem>>, vector<1x16xf32>,
      %swap3A_222 = arith.index_cast %add3A_216 : i32 to index
      %swap3A_223 = arith.constant 16 : index
      %swap3A_224 = tpu.vector_load %arg8[%swap3A_222, %swap3A_223] {strides = array<i32>} : memref<512x32xf32, #tpu.memory_space<vmem>>, vector<1x16xf32>,
      %swap3A_225 = vector.shape_cast %swap3A_224 : vector<1x16xf32> to vector<16xf32>
      %swap3A_226 = vector.shape_cast %parallel_loop3A_212#1 : vector<16xf32> to vector<1x16xf32>
      tpu.vector_store %arg8[%swap3A_222, %swap3A_223], %swap3A_226 {strides = array<i32>} : memref<512x32xf32, #tpu.memory_space<vmem>>, vector<1x16xf32>,
      %swap3A_227 = arith.index_cast %add3A_216 : i32 to index
      %swap3A_228 = arith.constant 0 : index
      %swap3A_229 = tpu.vector_load %arg9[%swap3A_227, %swap3A_228] {strides = array<i32>} : memref<512x16xf32, #tpu.memory_space<vmem>>, vector<1x16xf32>,
      %swap3A_230 = vector.shape_cast %swap3A_229 : vector<1x16xf32> to vector<16xf32>
      %swap3A_231 = vector.shape_cast %parallel_loop3A_212#2 : vector<16xf32> to vector<1x16xf32>
      tpu.vector_store %arg9[%swap3A_227, %swap3A_228], %swap3A_231 {strides = array<i32>} : memref<512x16xf32, #tpu.memory_space<vmem>>, vector<1x16xf32>,
      %add3A_232 = arith.constant 8 : i32
      %add3A_233 = arith.addi %add3A_174, %add3A_232 : i32
      %lt3A_234 = arith.constant 256 : i32
      %lt3A_235 = arith.cmpi slt, %add3A_233, %lt3A_234 : i32
      %convert_element_type3A_236 = arith.extui %lt3A_235 : i1 to i32
      %cond3A_237 = arith.constant 0 : i32
      %cond3A_238 = arith.cmpi ne, %convert_element_type3A_236, %cond3A_237 : i32
      scf.if %cond3A_238 {
        %dma_start3A_648 = arith.constant 1 : i32
        %dma_start3A_649 = arith.constant 0 : i32
        %dma_start3A_650 = arith.constant 0 : i32
        %dma_start3A_651 = tpu.memref_slice %arg7[%dma_start3A_648, %dma_start3A_649, %dma_start3A_650] : memref<8x100x32xf32, #tpu.memory_space<vmem>> -> memref<1x100x32xf32, #tpu.memory_space<vmem>>
        %dma_start3A_652 = tpu.memref_squeeze %dma_start3A_651 : memref<1x100x32xf32, #tpu.memory_space<vmem>> -> memref<100x32xf32, #tpu.memory_space<vmem>>
        %dma_start3A_653 = arith.constant 0 : i32
        %dma_start3A_654 = tpu.memref_slice %arg6[%add3A_233, %dma_start3A_653] : memref<256x100xi32, #tpu.memory_space<vmem>> -> memref<1x100xi32, #tpu.memory_space<vmem>>
        %dma_start3A_655 = tpu.memref_squeeze %dma_start3A_654 : memref<1x100xi32, #tpu.memory_space<vmem>> -> memref<100xi32, #tpu.memory_space<vmem>>
        %dma_start3A_656 = arith.constant 0 : i32
        %dma_start3A_657 = arith.constant 0 : i32
        %dma_start3A_658 = tpu.memref_slice %arg2[%dma_start3A_656, %dma_start3A_657] : memref<100000x32xf32, #tpu.memory_space<hbm>> -> memref<100000x32xf32, #tpu.memory_space<hbm>>
        tpu.enqueue_indirect_dma source(%dma_start3A_658 : memref<100000x32xf32, #tpu.memory_space<hbm>>) target(%dma_start3A_652 : memref<100x32xf32, #tpu.memory_space<vmem>>) offsets(%dma_start3A_655 : memref<100xi32, #tpu.memory_space<vmem>>) semaphore(%arg11 : memref<!tpu.dma_semaphore, #tpu.memory_space<semaphore_mem>>)
      } else {
      }
      %mul3A_239 = arith.constant 8 : i32
      %mul3A_240 = arith.muli %scan3A_107, %mul3A_239 : i32
      %add3A_241 = arith.constant 2 : i32
      %add3A_242 = arith.addi %mul3A_240, %add3A_241 : i32
      %dma_wait3A_243 = arith.constant 2 : i32
      %dma_wait3A_244 = arith.constant 0 : i32
      %dma_wait3A_245 = arith.constant 0 : i32
      %dma_wait3A_246 = tpu.memref_slice %arg7[%dma_wait3A_243, %dma_wait3A_244, %dma_wait3A_245] : memref<8x100x32xf32, #tpu.memory_space<vmem>> -> memref<1x100x32xf32, #tpu.memory_space<vmem>>
      %dma_wait3A_247 = tpu.memref_squeeze %dma_wait3A_246 : memref<1x100x32xf32, #tpu.memory_space<vmem>> -> memref<100x32xf32, #tpu.memory_space<vmem>>
      %dma_wait3A_248 = arith.constant 0 : i32
      %dma_wait3A_249 = tpu.memref_slice %arg6[%add3A_242, %dma_wait3A_248] : memref<256x100xi32, #tpu.memory_space<vmem>> -> memref<1x100xi32, #tpu.memory_space<vmem>>
      %dma_wait3A_250 = tpu.memref_squeeze %dma_wait3A_249 : memref<1x100xi32, #tpu.memory_space<vmem>> -> memref<100xi32, #tpu.memory_space<vmem>>
      %dma_wait3A_251 = arith.constant 0 : i32
      %dma_wait3A_252 = arith.constant 0 : i32
      %dma_wait3A_253 = tpu.memref_slice %arg2[%dma_wait3A_251, %dma_wait3A_252] : memref<100000x32xf32, #tpu.memory_space<hbm>> -> memref<100000x32xf32, #tpu.memory_space<hbm>>
      tpu.wait_indirect_dma semaphore(%arg12 : memref<!tpu.dma_semaphore, #tpu.memory_space<semaphore_mem>>) src(%dma_wait3A_253 : memref<100000x32xf32, #tpu.memory_space<hbm>>) dst(%dma_wait3A_247 : memref<100x32xf32, #tpu.memory_space<vmem>>)
      %parallel_loop3A_254 = arith.constant 0 : i32
      %parallel_loop3A_255 = arith.constant 50 : i32
      %parallel_loop3A_256 = arith.constant 1 : i32
      %parallel_loop3A_257:3 = scf.for %parallel_loop3A_648 = %parallel_loop3A_254 to %parallel_loop3A_255 step %parallel_loop3A_256 iter_args(%parallel_loop3A_649 = %broadcast_in_dim3A_100, %parallel_loop3A_650 = %broadcast_in_dim3A_100, %parallel_loop3A_651 = %broadcast_in_dim3A_100) -> (vector<16xf32>, vector<16xf32>, vector<16xf32>)  : i32 {
        %parallel_loop3A_652 = arith.constant 2 : i32
        %parallel_loop3A_653 = arith.index_cast %parallel_loop3A_652 : i32 to index
        %parallel_loop3A_654 = arith.index_cast %parallel_loop3A_648 : i32 to index
        %parallel_loop3A_655 = arith.constant 0 : index
        %parallel_loop3A_656 = tpu.vector_load %arg7[%parallel_loop3A_653, %parallel_loop3A_654, %parallel_loop3A_655] {strides = array<i32>} : memref<8x100x32xf32, #tpu.memory_space<vmem>>, vector<1x1x16xf32>,
        %parallel_loop3A_657 = vector.shape_cast %parallel_loop3A_656 : vector<1x1x16xf32> to vector<16xf32>
        %parallel_loop3A_658 = arith.constant 2 : i32
        %parallel_loop3A_659 = arith.index_cast %parallel_loop3A_658 : i32 to index
        %parallel_loop3A_660 = arith.index_cast %parallel_loop3A_648 : i32 to index
        %parallel_loop3A_661 = arith.constant 16 : index
        %parallel_loop3A_662 = tpu.vector_load %arg7[%parallel_loop3A_659, %parallel_loop3A_660, %parallel_loop3A_661] {strides = array<i32>} : memref<8x100x32xf32, #tpu.memory_space<vmem>>, vector<1x1x16xf32>,
        %parallel_loop3A_663 = vector.shape_cast %parallel_loop3A_662 : vector<1x1x16xf32> to vector<16xf32>
        %parallel_loop3A_664 = arith.addf %parallel_loop3A_649, %parallel_loop3A_657 : vector<16xf32>
        %parallel_loop3A_665 = arith.addf %parallel_loop3A_650, %parallel_loop3A_663 : vector<16xf32>
        %parallel_loop3A_666 = arith.mulf %parallel_loop3A_657, %parallel_loop3A_657 : vector<16xf32>
        %parallel_loop3A_667 = arith.addf %parallel_loop3A_651, %parallel_loop3A_666 : vector<16xf32>
        %parallel_loop3A_668 = arith.mulf %parallel_loop3A_663, %parallel_loop3A_663 : vector<16xf32>
        %parallel_loop3A_669 = arith.addf %parallel_loop3A_667, %parallel_loop3A_668 : vector<16xf32>
        scf.yield %parallel_loop3A_664, %parallel_loop3A_665, %parallel_loop3A_669 : vector<16xf32>, vector<16xf32>, vector<16xf32>
      } {sc.loop_unroll_factor = 10 : i64, sc.parallel_access}
      %mul3A_258 = arith.constant 2 : i32
      %mul3A_259 = arith.muli %add3A_242, %mul3A_258 : i32
      %add3A_260 = arith.constant 0 : i32
      %add3A_261 = arith.addi %mul3A_259, %add3A_260 : i32
      %swap3A_262 = arith.index_cast %add3A_261 : i32 to index
      %swap3A_263 = arith.constant 0 : index
      %swap3A_264 = tpu.vector_load %arg8[%swap3A_262, %swap3A_263] {strides = array<i32>} : memref<512x32xf32, #tpu.memory_space<vmem>>, vector<1x16xf32>,
      %swap3A_265 = vector.shape_cast %swap3A_264 : vector<1x16xf32> to vector<16xf32>
      %swap3A_266 = vector.shape_cast %parallel_loop3A_257#0 : vector<16xf32> to vector<1x16xf32>
      tpu.vector_store %arg8[%swap3A_262, %swap3A_263], %swap3A_266 {strides = array<i32>} : memref<512x32xf32, #tpu.memory_space<vmem>>, vector<1x16xf32>,
      %swap3A_267 = arith.index_cast %add3A_261 : i32 to index
      %swap3A_268 = arith.constant 16 : index
      %swap3A_269 = tpu.vector_load %arg8[%swap3A_267, %swap3A_268] {strides = array<i32>} : memref<512x32xf32, #tpu.memory_space<vmem>>, vector<1x16xf32>,
      %swap3A_270 = vector.shape_cast %swap3A_269 : vector<1x16xf32> to vector<16xf32>
      %swap3A_271 = vector.shape_cast %parallel_loop3A_257#1 : vector<16xf32> to vector<1x16xf32>
      tpu.vector_store %arg8[%swap3A_267, %swap3A_268], %swap3A_271 {strides = array<i32>} : memref<512x32xf32, #tpu.memory_space<vmem>>, vector<1x16xf32>,
      %swap3A_272 = arith.index_cast %add3A_261 : i32 to index
      %swap3A_273 = arith.constant 0 : index
      %swap3A_274 = tpu.vector_load %arg9[%swap3A_272, %swap3A_273] {strides = array<i32>} : memref<512x16xf32, #tpu.memory_space<vmem>>, vector<1x16xf32>,
      %swap3A_275 = vector.shape_cast %swap3A_274 : vector<1x16xf32> to vector<16xf32>
      %swap3A_276 = vector.shape_cast %parallel_loop3A_257#2 : vector<16xf32> to vector<1x16xf32>
      tpu.vector_store %arg9[%swap3A_272, %swap3A_273], %swap3A_276 {strides = array<i32>} : memref<512x16xf32, #tpu.memory_space<vmem>>, vector<1x16xf32>,
      %parallel_loop3A_277 = arith.constant 50 : i32
      %parallel_loop3A_278 = arith.constant 100 : i32
      %parallel_loop3A_279 = arith.constant 1 : i32
      %parallel_loop3A_280:3 = scf.for %parallel_loop3A_648 = %parallel_loop3A_277 to %parallel_loop3A_278 step %parallel_loop3A_279 iter_args(%parallel_loop3A_649 = %broadcast_in_dim3A_100, %parallel_loop3A_650 = %broadcast_in_dim3A_100, %parallel_loop3A_651 = %broadcast_in_dim3A_100) -> (vector<16xf32>, vector<16xf32>, vector<16xf32>)  : i32 {
        %parallel_loop3A_652 = arith.constant 2 : i32
        %parallel_loop3A_653 = arith.index_cast %parallel_loop3A_652 : i32 to index
        %parallel_loop3A_654 = arith.index_cast %parallel_loop3A_648 : i32 to index
        %parallel_loop3A_655 = arith.constant 0 : index
        %parallel_loop3A_656 = tpu.vector_load %arg7[%parallel_loop3A_653, %parallel_loop3A_654, %parallel_loop3A_655] {strides = array<i32>} : memref<8x100x32xf32, #tpu.memory_space<vmem>>, vector<1x1x16xf32>,
        %parallel_loop3A_657 = vector.shape_cast %parallel_loop3A_656 : vector<1x1x16xf32> to vector<16xf32>
        %parallel_loop3A_658 = arith.constant 2 : i32
        %parallel_loop3A_659 = arith.index_cast %parallel_loop3A_658 : i32 to index
        %parallel_loop3A_660 = arith.index_cast %parallel_loop3A_648 : i32 to index
        %parallel_loop3A_661 = arith.constant 16 : index
        %parallel_loop3A_662 = tpu.vector_load %arg7[%parallel_loop3A_659, %parallel_loop3A_660, %parallel_loop3A_661] {strides = array<i32>} : memref<8x100x32xf32, #tpu.memory_space<vmem>>, vector<1x1x16xf32>,
        %parallel_loop3A_663 = vector.shape_cast %parallel_loop3A_662 : vector<1x1x16xf32> to vector<16xf32>
        %parallel_loop3A_664 = arith.addf %parallel_loop3A_649, %parallel_loop3A_657 : vector<16xf32>
        %parallel_loop3A_665 = arith.addf %parallel_loop3A_650, %parallel_loop3A_663 : vector<16xf32>
        %parallel_loop3A_666 = arith.mulf %parallel_loop3A_657, %parallel_loop3A_657 : vector<16xf32>
        %parallel_loop3A_667 = arith.addf %parallel_loop3A_651, %parallel_loop3A_666 : vector<16xf32>
        %parallel_loop3A_668 = arith.mulf %parallel_loop3A_663, %parallel_loop3A_663 : vector<16xf32>
        %parallel_loop3A_669 = arith.addf %parallel_loop3A_667, %parallel_loop3A_668 : vector<16xf32>
        scf.yield %parallel_loop3A_664, %parallel_loop3A_665, %parallel_loop3A_669 : vector<16xf32>, vector<16xf32>, vector<16xf32>
      } {sc.loop_unroll_factor = 10 : i64, sc.parallel_access}
      %mul3A_281 = arith.constant 2 : i32
      %mul3A_282 = arith.muli %add3A_242, %mul3A_281 : i32
      %add3A_283 = arith.constant 1 : i32
      %add3A_284 = arith.addi %mul3A_282, %add3A_283 : i32
      %swap3A_285 = arith.index_cast %add3A_284 : i32 to index
      %swap3A_286 = arith.constant 0 : index
      %swap3A_287 = tpu.vector_load %arg8[%swap3A_285, %swap3A_286] {strides = array<i32>} : memref<512x32xf32, #tpu.memory_space<vmem>>, vector<1x16xf32>,
      %swap3A_288 = vector.shape_cast %swap3A_287 : vector<1x16xf32> to vector<16xf32>
      %swap3A_289 = vector.shape_cast %parallel_loop3A_280#0 : vector<16xf32> to vector<1x16xf32>
      tpu.vector_store %arg8[%swap3A_285, %swap3A_286], %swap3A_289 {strides = array<i32>} : memref<512x32xf32, #tpu.memory_space<vmem>>, vector<1x16xf32>,
      %swap3A_290 = arith.index_cast %add3A_284 : i32 to index
      %swap3A_291 = arith.constant 16 : index
      %swap3A_292 = tpu.vector_load %arg8[%swap3A_290, %swap3A_291] {strides = array<i32>} : memref<512x32xf32, #tpu.memory_space<vmem>>, vector<1x16xf32>,
      %swap3A_293 = vector.shape_cast %swap3A_292 : vector<1x16xf32> to vector<16xf32>
      %swap3A_294 = vector.shape_cast %parallel_loop3A_280#1 : vector<16xf32> to vector<1x16xf32>
      tpu.vector_store %arg8[%swap3A_290, %swap3A_291], %swap3A_294 {strides = array<i32>} : memref<512x32xf32, #tpu.memory_space<vmem>>, vector<1x16xf32>,
      %swap3A_295 = arith.index_cast %add3A_284 : i32 to index
      %swap3A_296 = arith.constant 0 : index
      %swap3A_297 = tpu.vector_load %arg9[%swap3A_295, %swap3A_296] {strides = array<i32>} : memref<512x16xf32, #tpu.memory_space<vmem>>, vector<1x16xf32>,
      %swap3A_298 = vector.shape_cast %swap3A_297 : vector<1x16xf32> to vector<16xf32>
      %swap3A_299 = vector.shape_cast %parallel_loop3A_280#2 : vector<16xf32> to vector<1x16xf32>
      tpu.vector_store %arg9[%swap3A_295, %swap3A_296], %swap3A_299 {strides = array<i32>} : memref<512x16xf32, #tpu.memory_space<vmem>>, vector<1x16xf32>,
      %add3A_300 = arith.constant 8 : i32
      %add3A_301 = arith.addi %add3A_242, %add3A_300 : i32
      %lt3A_302 = arith.constant 256 : i32
      %lt3A_303 = arith.cmpi slt, %add3A_301, %lt3A_302 : i32
      %convert_element_type3A_304 = arith.extui %lt3A_303 : i1 to i32
      %cond3A_305 = arith.constant 0 : i32
      %cond3A_306 = arith.cmpi ne, %convert_element_type3A_304, %cond3A_305 : i32
      scf.if %cond3A_306 {
        %dma_start3A_648 = arith.constant 2 : i32
        %dma_start3A_649 = arith.constant 0 : i32
        %dma_start3A_650 = arith.constant 0 : i32
        %dma_start3A_651 = tpu.memref_slice %arg7[%dma_start3A_648, %dma_start3A_649, %dma_start3A_650] : memref<8x100x32xf32, #tpu.memory_space<vmem>> -> memref<1x100x32xf32, #tpu.memory_space<vmem>>
        %dma_start3A_652 = tpu.memref_squeeze %dma_start3A_651 : memref<1x100x32xf32, #tpu.memory_space<vmem>> -> memref<100x32xf32, #tpu.memory_space<vmem>>
        %dma_start3A_653 = arith.constant 0 : i32
        %dma_start3A_654 = tpu.memref_slice %arg6[%add3A_301, %dma_start3A_653] : memref<256x100xi32, #tpu.memory_space<vmem>> -> memref<1x100xi32, #tpu.memory_space<vmem>>
        %dma_start3A_655 = tpu.memref_squeeze %dma_start3A_654 : memref<1x100xi32, #tpu.memory_space<vmem>> -> memref<100xi32, #tpu.memory_space<vmem>>
        %dma_start3A_656 = arith.constant 0 : i32
        %dma_start3A_657 = arith.constant 0 : i32
        %dma_start3A_658 = tpu.memref_slice %arg2[%dma_start3A_656, %dma_start3A_657] : memref<100000x32xf32, #tpu.memory_space<hbm>> -> memref<100000x32xf32, #tpu.memory_space<hbm>>
        tpu.enqueue_indirect_dma source(%dma_start3A_658 : memref<100000x32xf32, #tpu.memory_space<hbm>>) target(%dma_start3A_652 : memref<100x32xf32, #tpu.memory_space<vmem>>) offsets(%dma_start3A_655 : memref<100xi32, #tpu.memory_space<vmem>>) semaphore(%arg12 : memref<!tpu.dma_semaphore, #tpu.memory_space<semaphore_mem>>)
      } else {
      }
      %mul3A_307 = arith.constant 8 : i32
      %mul3A_308 = arith.muli %scan3A_107, %mul3A_307 : i32
      %add3A_309 = arith.constant 3 : i32
      %add3A_310 = arith.addi %mul3A_308, %add3A_309 : i32
      %dma_wait3A_311 = arith.constant 3 : i32
      %dma_wait3A_312 = arith.constant 0 : i32
      %dma_wait3A_313 = arith.constant 0 : i32
      %dma_wait3A_314 = tpu.memref_slice %arg7[%dma_wait3A_311, %dma_wait3A_312, %dma_wait3A_313] : memref<8x100x32xf32, #tpu.memory_space<vmem>> -> memref<1x100x32xf32, #tpu.memory_space<vmem>>
      %dma_wait3A_315 = tpu.memref_squeeze %dma_wait3A_314 : memref<1x100x32xf32, #tpu.memory_space<vmem>> -> memref<100x32xf32, #tpu.memory_space<vmem>>
      %dma_wait3A_316 = arith.constant 0 : i32
      %dma_wait3A_317 = tpu.memref_slice %arg6[%add3A_310, %dma_wait3A_316] : memref<256x100xi32, #tpu.memory_space<vmem>> -> memref<1x100xi32, #tpu.memory_space<vmem>>
      %dma_wait3A_318 = tpu.memref_squeeze %dma_wait3A_317 : memref<1x100xi32, #tpu.memory_space<vmem>> -> memref<100xi32, #tpu.memory_space<vmem>>
      %dma_wait3A_319 = arith.constant 0 : i32
      %dma_wait3A_320 = arith.constant 0 : i32
      %dma_wait3A_321 = tpu.memref_slice %arg2[%dma_wait3A_319, %dma_wait3A_320] : memref<100000x32xf32, #tpu.memory_space<hbm>> -> memref<100000x32xf32, #tpu.memory_space<hbm>>
      tpu.wait_indirect_dma semaphore(%arg13 : memref<!tpu.dma_semaphore, #tpu.memory_space<semaphore_mem>>) src(%dma_wait3A_321 : memref<100000x32xf32, #tpu.memory_space<hbm>>) dst(%dma_wait3A_315 : memref<100x32xf32, #tpu.memory_space<vmem>>)
      %parallel_loop3A_322 = arith.constant 0 : i32
      %parallel_loop3A_323 = arith.constant 50 : i32
      %parallel_loop3A_324 = arith.constant 1 : i32
      %parallel_loop3A_325:3 = scf.for %parallel_loop3A_648 = %parallel_loop3A_322 to %parallel_loop3A_323 step %parallel_loop3A_324 iter_args(%parallel_loop3A_649 = %broadcast_in_dim3A_100, %parallel_loop3A_650 = %broadcast_in_dim3A_100, %parallel_loop3A_651 = %broadcast_in_dim3A_100) -> (vector<16xf32>, vector<16xf32>, vector<16xf32>)  : i32 {
        %parallel_loop3A_652 = arith.constant 3 : i32
        %parallel_loop3A_653 = arith.index_cast %parallel_loop3A_652 : i32 to index
        %parallel_loop3A_654 = arith.index_cast %parallel_loop3A_648 : i32 to index
        %parallel_loop3A_655 = arith.constant 0 : index
        %parallel_loop3A_656 = tpu.vector_load %arg7[%parallel_loop3A_653, %parallel_loop3A_654, %parallel_loop3A_655] {strides = array<i32>} : memref<8x100x32xf32, #tpu.memory_space<vmem>>, vector<1x1x16xf32>,
        %parallel_loop3A_657 = vector.shape_cast %parallel_loop3A_656 : vector<1x1x16xf32> to vector<16xf32>
        %parallel_loop3A_658 = arith.constant 3 : i32
        %parallel_loop3A_659 = arith.index_cast %parallel_loop3A_658 : i32 to index
        %parallel_loop3A_660 = arith.index_cast %parallel_loop3A_648 : i32 to index
        %parallel_loop3A_661 = arith.constant 16 : index
        %parallel_loop3A_662 = tpu.vector_load %arg7[%parallel_loop3A_659, %parallel_loop3A_660, %parallel_loop3A_661] {strides = array<i32>} : memref<8x100x32xf32, #tpu.memory_space<vmem>>, vector<1x1x16xf32>,
        %parallel_loop3A_663 = vector.shape_cast %parallel_loop3A_662 : vector<1x1x16xf32> to vector<16xf32>
        %parallel_loop3A_664 = arith.addf %parallel_loop3A_649, %parallel_loop3A_657 : vector<16xf32>
        %parallel_loop3A_665 = arith.addf %parallel_loop3A_650, %parallel_loop3A_663 : vector<16xf32>
        %parallel_loop3A_666 = arith.mulf %parallel_loop3A_657, %parallel_loop3A_657 : vector<16xf32>
        %parallel_loop3A_667 = arith.addf %parallel_loop3A_651, %parallel_loop3A_666 : vector<16xf32>
        %parallel_loop3A_668 = arith.mulf %parallel_loop3A_663, %parallel_loop3A_663 : vector<16xf32>
        %parallel_loop3A_669 = arith.addf %parallel_loop3A_667, %parallel_loop3A_668 : vector<16xf32>
        scf.yield %parallel_loop3A_664, %parallel_loop3A_665, %parallel_loop3A_669 : vector<16xf32>, vector<16xf32>, vector<16xf32>
      } {sc.loop_unroll_factor = 10 : i64, sc.parallel_access}
      %mul3A_326 = arith.constant 2 : i32
      %mul3A_327 = arith.muli %add3A_310, %mul3A_326 : i32
      %add3A_328 = arith.constant 0 : i32
      %add3A_329 = arith.addi %mul3A_327, %add3A_328 : i32
      %swap3A_330 = arith.index_cast %add3A_329 : i32 to index
      %swap3A_331 = arith.constant 0 : index
      %swap3A_332 = tpu.vector_load %arg8[%swap3A_330, %swap3A_331] {strides = array<i32>} : memref<512x32xf32, #tpu.memory_space<vmem>>, vector<1x16xf32>,
      %swap3A_333 = vector.shape_cast %swap3A_332 : vector<1x16xf32> to vector<16xf32>
      %swap3A_334 = vector.shape_cast %parallel_loop3A_325#0 : vector<16xf32> to vector<1x16xf32>
      tpu.vector_store %arg8[%swap3A_330, %swap3A_331], %swap3A_334 {strides = array<i32>} : memref<512x32xf32, #tpu.memory_space<vmem>>, vector<1x16xf32>,
      %swap3A_335 = arith.index_cast %add3A_329 : i32 to index
      %swap3A_336 = arith.constant 16 : index
      %swap3A_337 = tpu.vector_load %arg8[%swap3A_335, %swap3A_336] {strides = array<i32>} : memref<512x32xf32, #tpu.memory_space<vmem>>, vector<1x16xf32>,
      %swap3A_338 = vector.shape_cast %swap3A_337 : vector<1x16xf32> to vector<16xf32>
      %swap3A_339 = vector.shape_cast %parallel_loop3A_325#1 : vector<16xf32> to vector<1x16xf32>
      tpu.vector_store %arg8[%swap3A_335, %swap3A_336], %swap3A_339 {strides = array<i32>} : memref<512x32xf32, #tpu.memory_space<vmem>>, vector<1x16xf32>,
      %swap3A_340 = arith.index_cast %add3A_329 : i32 to index
      %swap3A_341 = arith.constant 0 : index
      %swap3A_342 = tpu.vector_load %arg9[%swap3A_340, %swap3A_341] {strides = array<i32>} : memref<512x16xf32, #tpu.memory_space<vmem>>, vector<1x16xf32>,
      %swap3A_343 = vector.shape_cast %swap3A_342 : vector<1x16xf32> to vector<16xf32>
      %swap3A_344 = vector.shape_cast %parallel_loop3A_325#2 : vector<16xf32> to vector<1x16xf32>
      tpu.vector_store %arg9[%swap3A_340, %swap3A_341], %swap3A_344 {strides = array<i32>} : memref<512x16xf32, #tpu.memory_space<vmem>>, vector<1x16xf32>,
      %parallel_loop3A_345 = arith.constant 50 : i32
      %parallel_loop3A_346 = arith.constant 100 : i32
      %parallel_loop3A_347 = arith.constant 1 : i32
      %parallel_loop3A_348:3 = scf.for %parallel_loop3A_648 = %parallel_loop3A_345 to %parallel_loop3A_346 step %parallel_loop3A_347 iter_args(%parallel_loop3A_649 = %broadcast_in_dim3A_100, %parallel_loop3A_650 = %broadcast_in_dim3A_100, %parallel_loop3A_651 = %broadcast_in_dim3A_100) -> (vector<16xf32>, vector<16xf32>, vector<16xf32>)  : i32 {
        %parallel_loop3A_652 = arith.constant 3 : i32
        %parallel_loop3A_653 = arith.index_cast %parallel_loop3A_652 : i32 to index
        %parallel_loop3A_654 = arith.index_cast %parallel_loop3A_648 : i32 to index
        %parallel_loop3A_655 = arith.constant 0 : index
        %parallel_loop3A_656 = tpu.vector_load %arg7[%parallel_loop3A_653, %parallel_loop3A_654, %parallel_loop3A_655] {strides = array<i32>} : memref<8x100x32xf32, #tpu.memory_space<vmem>>, vector<1x1x16xf32>,
        %parallel_loop3A_657 = vector.shape_cast %parallel_loop3A_656 : vector<1x1x16xf32> to vector<16xf32>
        %parallel_loop3A_658 = arith.constant 3 : i32
        %parallel_loop3A_659 = arith.index_cast %parallel_loop3A_658 : i32 to index
        %parallel_loop3A_660 = arith.index_cast %parallel_loop3A_648 : i32 to index
        %parallel_loop3A_661 = arith.constant 16 : index
        %parallel_loop3A_662 = tpu.vector_load %arg7[%parallel_loop3A_659, %parallel_loop3A_660, %parallel_loop3A_661] {strides = array<i32>} : memref<8x100x32xf32, #tpu.memory_space<vmem>>, vector<1x1x16xf32>,
        %parallel_loop3A_663 = vector.shape_cast %parallel_loop3A_662 : vector<1x1x16xf32> to vector<16xf32>
        %parallel_loop3A_664 = arith.addf %parallel_loop3A_649, %parallel_loop3A_657 : vector<16xf32>
        %parallel_loop3A_665 = arith.addf %parallel_loop3A_650, %parallel_loop3A_663 : vector<16xf32>
        %parallel_loop3A_666 = arith.mulf %parallel_loop3A_657, %parallel_loop3A_657 : vector<16xf32>
        %parallel_loop3A_667 = arith.addf %parallel_loop3A_651, %parallel_loop3A_666 : vector<16xf32>
        %parallel_loop3A_668 = arith.mulf %parallel_loop3A_663, %parallel_loop3A_663 : vector<16xf32>
        %parallel_loop3A_669 = arith.addf %parallel_loop3A_667, %parallel_loop3A_668 : vector<16xf32>
        scf.yield %parallel_loop3A_664, %parallel_loop3A_665, %parallel_loop3A_669 : vector<16xf32>, vector<16xf32>, vector<16xf32>
      } {sc.loop_unroll_factor = 10 : i64, sc.parallel_access}
      %mul3A_349 = arith.constant 2 : i32
      %mul3A_350 = arith.muli %add3A_310, %mul3A_349 : i32
      %add3A_351 = arith.constant 1 : i32
      %add3A_352 = arith.addi %mul3A_350, %add3A_351 : i32
      %swap3A_353 = arith.index_cast %add3A_352 : i32 to index
      %swap3A_354 = arith.constant 0 : index
      %swap3A_355 = tpu.vector_load %arg8[%swap3A_353, %swap3A_354] {strides = array<i32>} : memref<512x32xf32, #tpu.memory_space<vmem>>, vector<1x16xf32>,
      %swap3A_356 = vector.shape_cast %swap3A_355 : vector<1x16xf32> to vector<16xf32>
      %swap3A_357 = vector.shape_cast %parallel_loop3A_348#0 : vector<16xf32> to vector<1x16xf32>
      tpu.vector_store %arg8[%swap3A_353, %swap3A_354], %swap3A_357 {strides = array<i32>} : memref<512x32xf32, #tpu.memory_space<vmem>>, vector<1x16xf32>,
      %swap3A_358 = arith.index_cast %add3A_352 : i32 to index
      %swap3A_359 = arith.constant 16 : index
      %swap3A_360 = tpu.vector_load %arg8[%swap3A_358, %swap3A_359] {strides = array<i32>} : memref<512x32xf32, #tpu.memory_space<vmem>>, vector<1x16xf32>,
      %swap3A_361 = vector.shape_cast %swap3A_360 : vector<1x16xf32> to vector<16xf32>
      %swap3A_362 = vector.shape_cast %parallel_loop3A_348#1 : vector<16xf32> to vector<1x16xf32>
      tpu.vector_store %arg8[%swap3A_358, %swap3A_359], %swap3A_362 {strides = array<i32>} : memref<512x32xf32, #tpu.memory_space<vmem>>, vector<1x16xf32>,
      %swap3A_363 = arith.index_cast %add3A_352 : i32 to index
      %swap3A_364 = arith.constant 0 : index
      %swap3A_365 = tpu.vector_load %arg9[%swap3A_363, %swap3A_364] {strides = array<i32>} : memref<512x16xf32, #tpu.memory_space<vmem>>, vector<1x16xf32>,
      %swap3A_366 = vector.shape_cast %swap3A_365 : vector<1x16xf32> to vector<16xf32>
      %swap3A_367 = vector.shape_cast %parallel_loop3A_348#2 : vector<16xf32> to vector<1x16xf32>
      tpu.vector_store %arg9[%swap3A_363, %swap3A_364], %swap3A_367 {strides = array<i32>} : memref<512x16xf32, #tpu.memory_space<vmem>>, vector<1x16xf32>,
      %add3A_368 = arith.constant 8 : i32
      %add3A_369 = arith.addi %add3A_310, %add3A_368 : i32
      %lt3A_370 = arith.constant 256 : i32
      %lt3A_371 = arith.cmpi slt, %add3A_369, %lt3A_370 : i32
      %convert_element_type3A_372 = arith.extui %lt3A_371 : i1 to i32
      %cond3A_373 = arith.constant 0 : i32
      %cond3A_374 = arith.cmpi ne, %convert_element_type3A_372, %cond3A_373 : i32
      scf.if %cond3A_374 {
        %dma_start3A_648 = arith.constant 3 : i32
        %dma_start3A_649 = arith.constant 0 : i32
        %dma_start3A_650 = arith.constant 0 : i32
        %dma_start3A_651 = tpu.memref_slice %arg7[%dma_start3A_648, %dma_start3A_649, %dma_start3A_650] : memref<8x100x32xf32, #tpu.memory_space<vmem>> -> memref<1x100x32xf32, #tpu.memory_space<vmem>>
        %dma_start3A_652 = tpu.memref_squeeze %dma_start3A_651 : memref<1x100x32xf32, #tpu.memory_space<vmem>> -> memref<100x32xf32, #tpu.memory_space<vmem>>
        %dma_start3A_653 = arith.constant 0 : i32
        %dma_start3A_654 = tpu.memref_slice %arg6[%add3A_369, %dma_start3A_653] : memref<256x100xi32, #tpu.memory_space<vmem>> -> memref<1x100xi32, #tpu.memory_space<vmem>>
        %dma_start3A_655 = tpu.memref_squeeze %dma_start3A_654 : memref<1x100xi32, #tpu.memory_space<vmem>> -> memref<100xi32, #tpu.memory_space<vmem>>
        %dma_start3A_656 = arith.constant 0 : i32
        %dma_start3A_657 = arith.constant 0 : i32
        %dma_start3A_658 = tpu.memref_slice %arg2[%dma_start3A_656, %dma_start3A_657] : memref<100000x32xf32, #tpu.memory_space<hbm>> -> memref<100000x32xf32, #tpu.memory_space<hbm>>
        tpu.enqueue_indirect_dma source(%dma_start3A_658 : memref<100000x32xf32, #tpu.memory_space<hbm>>) target(%dma_start3A_652 : memref<100x32xf32, #tpu.memory_space<vmem>>) offsets(%dma_start3A_655 : memref<100xi32, #tpu.memory_space<vmem>>) semaphore(%arg13 : memref<!tpu.dma_semaphore, #tpu.memory_space<semaphore_mem>>)
      } else {
      }
      %mul3A_375 = arith.constant 8 : i32
      %mul3A_376 = arith.muli %scan3A_107, %mul3A_375 : i32
      %add3A_377 = arith.constant 4 : i32
      %add3A_378 = arith.addi %mul3A_376, %add3A_377 : i32
      %dma_wait3A_379 = arith.constant 4 : i32
      %dma_wait3A_380 = arith.constant 0 : i32
      %dma_wait3A_381 = arith.constant 0 : i32
      %dma_wait3A_382 = tpu.memref_slice %arg7[%dma_wait3A_379, %dma_wait3A_380, %dma_wait3A_381] : memref<8x100x32xf32, #tpu.memory_space<vmem>> -> memref<1x100x32xf32, #tpu.memory_space<vmem>>
      %dma_wait3A_383 = tpu.memref_squeeze %dma_wait3A_382 : memref<1x100x32xf32, #tpu.memory_space<vmem>> -> memref<100x32xf32, #tpu.memory_space<vmem>>
      %dma_wait3A_384 = arith.constant 0 : i32
      %dma_wait3A_385 = tpu.memref_slice %arg6[%add3A_378, %dma_wait3A_384] : memref<256x100xi32, #tpu.memory_space<vmem>> -> memref<1x100xi32, #tpu.memory_space<vmem>>
      %dma_wait3A_386 = tpu.memref_squeeze %dma_wait3A_385 : memref<1x100xi32, #tpu.memory_space<vmem>> -> memref<100xi32, #tpu.memory_space<vmem>>
      %dma_wait3A_387 = arith.constant 0 : i32
      %dma_wait3A_388 = arith.constant 0 : i32
      %dma_wait3A_389 = tpu.memref_slice %arg2[%dma_wait3A_387, %dma_wait3A_388] : memref<100000x32xf32, #tpu.memory_space<hbm>> -> memref<100000x32xf32, #tpu.memory_space<hbm>>
      tpu.wait_indirect_dma semaphore(%arg14 : memref<!tpu.dma_semaphore, #tpu.memory_space<semaphore_mem>>) src(%dma_wait3A_389 : memref<100000x32xf32, #tpu.memory_space<hbm>>) dst(%dma_wait3A_383 : memref<100x32xf32, #tpu.memory_space<vmem>>)
      %parallel_loop3A_390 = arith.constant 0 : i32
      %parallel_loop3A_391 = arith.constant 50 : i32
      %parallel_loop3A_392 = arith.constant 1 : i32
      %parallel_loop3A_393:3 = scf.for %parallel_loop3A_648 = %parallel_loop3A_390 to %parallel_loop3A_391 step %parallel_loop3A_392 iter_args(%parallel_loop3A_649 = %broadcast_in_dim3A_100, %parallel_loop3A_650 = %broadcast_in_dim3A_100, %parallel_loop3A_651 = %broadcast_in_dim3A_100) -> (vector<16xf32>, vector<16xf32>, vector<16xf32>)  : i32 {
        %parallel_loop3A_652 = arith.constant 4 : i32
        %parallel_loop3A_653 = arith.index_cast %parallel_loop3A_652 : i32 to index
        %parallel_loop3A_654 = arith.index_cast %parallel_loop3A_648 : i32 to index
        %parallel_loop3A_655 = arith.constant 0 : index
        %parallel_loop3A_656 = tpu.vector_load %arg7[%parallel_loop3A_653, %parallel_loop3A_654, %parallel_loop3A_655] {strides = array<i32>} : memref<8x100x32xf32, #tpu.memory_space<vmem>>, vector<1x1x16xf32>,
        %parallel_loop3A_657 = vector.shape_cast %parallel_loop3A_656 : vector<1x1x16xf32> to vector<16xf32>
        %parallel_loop3A_658 = arith.constant 4 : i32
        %parallel_loop3A_659 = arith.index_cast %parallel_loop3A_658 : i32 to index
        %parallel_loop3A_660 = arith.index_cast %parallel_loop3A_648 : i32 to index
        %parallel_loop3A_661 = arith.constant 16 : index
        %parallel_loop3A_662 = tpu.vector_load %arg7[%parallel_loop3A_659, %parallel_loop3A_660, %parallel_loop3A_661] {strides = array<i32>} : memref<8x100x32xf32, #tpu.memory_space<vmem>>, vector<1x1x16xf32>,
        %parallel_loop3A_663 = vector.shape_cast %parallel_loop3A_662 : vector<1x1x16xf32> to vector<16xf32>
        %parallel_loop3A_664 = arith.addf %parallel_loop3A_649, %parallel_loop3A_657 : vector<16xf32>
        %parallel_loop3A_665 = arith.addf %parallel_loop3A_650, %parallel_loop3A_663 : vector<16xf32>
        %parallel_loop3A_666 = arith.mulf %parallel_loop3A_657, %parallel_loop3A_657 : vector<16xf32>
        %parallel_loop3A_667 = arith.addf %parallel_loop3A_651, %parallel_loop3A_666 : vector<16xf32>
        %parallel_loop3A_668 = arith.mulf %parallel_loop3A_663, %parallel_loop3A_663 : vector<16xf32>
        %parallel_loop3A_669 = arith.addf %parallel_loop3A_667, %parallel_loop3A_668 : vector<16xf32>
        scf.yield %parallel_loop3A_664, %parallel_loop3A_665, %parallel_loop3A_669 : vector<16xf32>, vector<16xf32>, vector<16xf32>
      } {sc.loop_unroll_factor = 10 : i64, sc.parallel_access}
      %mul3A_394 = arith.constant 2 : i32
      %mul3A_395 = arith.muli %add3A_378, %mul3A_394 : i32
      %add3A_396 = arith.constant 0 : i32
      %add3A_397 = arith.addi %mul3A_395, %add3A_396 : i32
      %swap3A_398 = arith.index_cast %add3A_397 : i32 to index
      %swap3A_399 = arith.constant 0 : index
      %swap3A_400 = tpu.vector_load %arg8[%swap3A_398, %swap3A_399] {strides = array<i32>} : memref<512x32xf32, #tpu.memory_space<vmem>>, vector<1x16xf32>,
      %swap3A_401 = vector.shape_cast %swap3A_400 : vector<1x16xf32> to vector<16xf32>
      %swap3A_402 = vector.shape_cast %parallel_loop3A_393#0 : vector<16xf32> to vector<1x16xf32>
      tpu.vector_store %arg8[%swap3A_398, %swap3A_399], %swap3A_402 {strides = array<i32>} : memref<512x32xf32, #tpu.memory_space<vmem>>, vector<1x16xf32>,
      %swap3A_403 = arith.index_cast %add3A_397 : i32 to index
      %swap3A_404 = arith.constant 16 : index
      %swap3A_405 = tpu.vector_load %arg8[%swap3A_403, %swap3A_404] {strides = array<i32>} : memref<512x32xf32, #tpu.memory_space<vmem>>, vector<1x16xf32>,
      %swap3A_406 = vector.shape_cast %swap3A_405 : vector<1x16xf32> to vector<16xf32>
      %swap3A_407 = vector.shape_cast %parallel_loop3A_393#1 : vector<16xf32> to vector<1x16xf32>
      tpu.vector_store %arg8[%swap3A_403, %swap3A_404], %swap3A_407 {strides = array<i32>} : memref<512x32xf32, #tpu.memory_space<vmem>>, vector<1x16xf32>,
      %swap3A_408 = arith.index_cast %add3A_397 : i32 to index
      %swap3A_409 = arith.constant 0 : index
      %swap3A_410 = tpu.vector_load %arg9[%swap3A_408, %swap3A_409] {strides = array<i32>} : memref<512x16xf32, #tpu.memory_space<vmem>>, vector<1x16xf32>,
      %swap3A_411 = vector.shape_cast %swap3A_410 : vector<1x16xf32> to vector<16xf32>
      %swap3A_412 = vector.shape_cast %parallel_loop3A_393#2 : vector<16xf32> to vector<1x16xf32>
      tpu.vector_store %arg9[%swap3A_408, %swap3A_409], %swap3A_412 {strides = array<i32>} : memref<512x16xf32, #tpu.memory_space<vmem>>, vector<1x16xf32>,
      %parallel_loop3A_413 = arith.constant 50 : i32
      %parallel_loop3A_414 = arith.constant 100 : i32
      %parallel_loop3A_415 = arith.constant 1 : i32
      %parallel_loop3A_416:3 = scf.for %parallel_loop3A_648 = %parallel_loop3A_413 to %parallel_loop3A_414 step %parallel_loop3A_415 iter_args(%parallel_loop3A_649 = %broadcast_in_dim3A_100, %parallel_loop3A_650 = %broadcast_in_dim3A_100, %parallel_loop3A_651 = %broadcast_in_dim3A_100) -> (vector<16xf32>, vector<16xf32>, vector<16xf32>)  : i32 {
        %parallel_loop3A_652 = arith.constant 4 : i32
        %parallel_loop3A_653 = arith.index_cast %parallel_loop3A_652 : i32 to index
        %parallel_loop3A_654 = arith.index_cast %parallel_loop3A_648 : i32 to index
        %parallel_loop3A_655 = arith.constant 0 : index
        %parallel_loop3A_656 = tpu.vector_load %arg7[%parallel_loop3A_653, %parallel_loop3A_654, %parallel_loop3A_655] {strides = array<i32>} : memref<8x100x32xf32, #tpu.memory_space<vmem>>, vector<1x1x16xf32>,
        %parallel_loop3A_657 = vector.shape_cast %parallel_loop3A_656 : vector<1x1x16xf32> to vector<16xf32>
        %parallel_loop3A_658 = arith.constant 4 : i32
        %parallel_loop3A_659 = arith.index_cast %parallel_loop3A_658 : i32 to index
        %parallel_loop3A_660 = arith.index_cast %parallel_loop3A_648 : i32 to index
        %parallel_loop3A_661 = arith.constant 16 : index
        %parallel_loop3A_662 = tpu.vector_load %arg7[%parallel_loop3A_659, %parallel_loop3A_660, %parallel_loop3A_661] {strides = array<i32>} : memref<8x100x32xf32, #tpu.memory_space<vmem>>, vector<1x1x16xf32>,
        %parallel_loop3A_663 = vector.shape_cast %parallel_loop3A_662 : vector<1x1x16xf32> to vector<16xf32>
        %parallel_loop3A_664 = arith.addf %parallel_loop3A_649, %parallel_loop3A_657 : vector<16xf32>
        %parallel_loop3A_665 = arith.addf %parallel_loop3A_650, %parallel_loop3A_663 : vector<16xf32>
        %parallel_loop3A_666 = arith.mulf %parallel_loop3A_657, %parallel_loop3A_657 : vector<16xf32>
        %parallel_loop3A_667 = arith.addf %parallel_loop3A_651, %parallel_loop3A_666 : vector<16xf32>
        %parallel_loop3A_668 = arith.mulf %parallel_loop3A_663, %parallel_loop3A_663 : vector<16xf32>
        %parallel_loop3A_669 = arith.addf %parallel_loop3A_667, %parallel_loop3A_668 : vector<16xf32>
        scf.yield %parallel_loop3A_664, %parallel_loop3A_665, %parallel_loop3A_669 : vector<16xf32>, vector<16xf32>, vector<16xf32>
      } {sc.loop_unroll_factor = 10 : i64, sc.parallel_access}
      %mul3A_417 = arith.constant 2 : i32
      %mul3A_418 = arith.muli %add3A_378, %mul3A_417 : i32
      %add3A_419 = arith.constant 1 : i32
      %add3A_420 = arith.addi %mul3A_418, %add3A_419 : i32
      %swap3A_421 = arith.index_cast %add3A_420 : i32 to index
      %swap3A_422 = arith.constant 0 : index
      %swap3A_423 = tpu.vector_load %arg8[%swap3A_421, %swap3A_422] {strides = array<i32>} : memref<512x32xf32, #tpu.memory_space<vmem>>, vector<1x16xf32>,
      %swap3A_424 = vector.shape_cast %swap3A_423 : vector<1x16xf32> to vector<16xf32>
      %swap3A_425 = vector.shape_cast %parallel_loop3A_416#0 : vector<16xf32> to vector<1x16xf32>
      tpu.vector_store %arg8[%swap3A_421, %swap3A_422], %swap3A_425 {strides = array<i32>} : memref<512x32xf32, #tpu.memory_space<vmem>>, vector<1x16xf32>,
      %swap3A_426 = arith.index_cast %add3A_420 : i32 to index
      %swap3A_427 = arith.constant 16 : index
      %swap3A_428 = tpu.vector_load %arg8[%swap3A_426, %swap3A_427] {strides = array<i32>} : memref<512x32xf32, #tpu.memory_space<vmem>>, vector<1x16xf32>,
      %swap3A_429 = vector.shape_cast %swap3A_428 : vector<1x16xf32> to vector<16xf32>
      %swap3A_430 = vector.shape_cast %parallel_loop3A_416#1 : vector<16xf32> to vector<1x16xf32>
      tpu.vector_store %arg8[%swap3A_426, %swap3A_427], %swap3A_430 {strides = array<i32>} : memref<512x32xf32, #tpu.memory_space<vmem>>, vector<1x16xf32>,
      %swap3A_431 = arith.index_cast %add3A_420 : i32 to index
      %swap3A_432 = arith.constant 0 : index
      %swap3A_433 = tpu.vector_load %arg9[%swap3A_431, %swap3A_432] {strides = array<i32>} : memref<512x16xf32, #tpu.memory_space<vmem>>, vector<1x16xf32>,
      %swap3A_434 = vector.shape_cast %swap3A_433 : vector<1x16xf32> to vector<16xf32>
      %swap3A_435 = vector.shape_cast %parallel_loop3A_416#2 : vector<16xf32> to vector<1x16xf32>
      tpu.vector_store %arg9[%swap3A_431, %swap3A_432], %swap3A_435 {strides = array<i32>} : memref<512x16xf32, #tpu.memory_space<vmem>>, vector<1x16xf32>,
      %add3A_436 = arith.constant 8 : i32
      %add3A_437 = arith.addi %add3A_378, %add3A_436 : i32
      %lt3A_438 = arith.constant 256 : i32
      %lt3A_439 = arith.cmpi slt, %add3A_437, %lt3A_438 : i32
      %convert_element_type3A_440 = arith.extui %lt3A_439 : i1 to i32
      %cond3A_441 = arith.constant 0 : i32
      %cond3A_442 = arith.cmpi ne, %convert_element_type3A_440, %cond3A_441 : i32
      scf.if %cond3A_442 {
        %dma_start3A_648 = arith.constant 4 : i32
        %dma_start3A_649 = arith.constant 0 : i32
        %dma_start3A_650 = arith.constant 0 : i32
        %dma_start3A_651 = tpu.memref_slice %arg7[%dma_start3A_648, %dma_start3A_649, %dma_start3A_650] : memref<8x100x32xf32, #tpu.memory_space<vmem>> -> memref<1x100x32xf32, #tpu.memory_space<vmem>>
        %dma_start3A_652 = tpu.memref_squeeze %dma_start3A_651 : memref<1x100x32xf32, #tpu.memory_space<vmem>> -> memref<100x32xf32, #tpu.memory_space<vmem>>
        %dma_start3A_653 = arith.constant 0 : i32
        %dma_start3A_654 = tpu.memref_slice %arg6[%add3A_437, %dma_start3A_653] : memref<256x100xi32, #tpu.memory_space<vmem>> -> memref<1x100xi32, #tpu.memory_space<vmem>>
        %dma_start3A_655 = tpu.memref_squeeze %dma_start3A_654 : memref<1x100xi32, #tpu.memory_space<vmem>> -> memref<100xi32, #tpu.memory_space<vmem>>
        %dma_start3A_656 = arith.constant 0 : i32
        %dma_start3A_657 = arith.constant 0 : i32
        %dma_start3A_658 = tpu.memref_slice %arg2[%dma_start3A_656, %dma_start3A_657] : memref<100000x32xf32, #tpu.memory_space<hbm>> -> memref<100000x32xf32, #tpu.memory_space<hbm>>
        tpu.enqueue_indirect_dma source(%dma_start3A_658 : memref<100000x32xf32, #tpu.memory_space<hbm>>) target(%dma_start3A_652 : memref<100x32xf32, #tpu.memory_space<vmem>>) offsets(%dma_start3A_655 : memref<100xi32, #tpu.memory_space<vmem>>) semaphore(%arg14 : memref<!tpu.dma_semaphore, #tpu.memory_space<semaphore_mem>>)
      } else {
      }
      %mul3A_443 = arith.constant 8 : i32
      %mul3A_444 = arith.muli %scan3A_107, %mul3A_443 : i32
      %add3A_445 = arith.constant 5 : i32
      %add3A_446 = arith.addi %mul3A_444, %add3A_445 : i32
      %dma_wait3A_447 = arith.constant 5 : i32
      %dma_wait3A_448 = arith.constant 0 : i32
      %dma_wait3A_449 = arith.constant 0 : i32
      %dma_wait3A_450 = tpu.memref_slice %arg7[%dma_wait3A_447, %dma_wait3A_448, %dma_wait3A_449] : memref<8x100x32xf32, #tpu.memory_space<vmem>> -> memref<1x100x32xf32, #tpu.memory_space<vmem>>
      %dma_wait3A_451 = tpu.memref_squeeze %dma_wait3A_450 : memref<1x100x32xf32, #tpu.memory_space<vmem>> -> memref<100x32xf32, #tpu.memory_space<vmem>>
      %dma_wait3A_452 = arith.constant 0 : i32
      %dma_wait3A_453 = tpu.memref_slice %arg6[%add3A_446, %dma_wait3A_452] : memref<256x100xi32, #tpu.memory_space<vmem>> -> memref<1x100xi32, #tpu.memory_space<vmem>>
      %dma_wait3A_454 = tpu.memref_squeeze %dma_wait3A_453 : memref<1x100xi32, #tpu.memory_space<vmem>> -> memref<100xi32, #tpu.memory_space<vmem>>
      %dma_wait3A_455 = arith.constant 0 : i32
      %dma_wait3A_456 = arith.constant 0 : i32
      %dma_wait3A_457 = tpu.memref_slice %arg2[%dma_wait3A_455, %dma_wait3A_456] : memref<100000x32xf32, #tpu.memory_space<hbm>> -> memref<100000x32xf32, #tpu.memory_space<hbm>>
      tpu.wait_indirect_dma semaphore(%arg15 : memref<!tpu.dma_semaphore, #tpu.memory_space<semaphore_mem>>) src(%dma_wait3A_457 : memref<100000x32xf32, #tpu.memory_space<hbm>>) dst(%dma_wait3A_451 : memref<100x32xf32, #tpu.memory_space<vmem>>)
      %parallel_loop3A_458 = arith.constant 0 : i32
      %parallel_loop3A_459 = arith.constant 50 : i32
      %parallel_loop3A_460 = arith.constant 1 : i32
      %parallel_loop3A_461:3 = scf.for %parallel_loop3A_648 = %parallel_loop3A_458 to %parallel_loop3A_459 step %parallel_loop3A_460 iter_args(%parallel_loop3A_649 = %broadcast_in_dim3A_100, %parallel_loop3A_650 = %broadcast_in_dim3A_100, %parallel_loop3A_651 = %broadcast_in_dim3A_100) -> (vector<16xf32>, vector<16xf32>, vector<16xf32>)  : i32 {
        %parallel_loop3A_652 = arith.constant 5 : i32
        %parallel_loop3A_653 = arith.index_cast %parallel_loop3A_652 : i32 to index
        %parallel_loop3A_654 = arith.index_cast %parallel_loop3A_648 : i32 to index
        %parallel_loop3A_655 = arith.constant 0 : index
        %parallel_loop3A_656 = tpu.vector_load %arg7[%parallel_loop3A_653, %parallel_loop3A_654, %parallel_loop3A_655] {strides = array<i32>} : memref<8x100x32xf32, #tpu.memory_space<vmem>>, vector<1x1x16xf32>,
        %parallel_loop3A_657 = vector.shape_cast %parallel_loop3A_656 : vector<1x1x16xf32> to vector<16xf32>
        %parallel_loop3A_658 = arith.constant 5 : i32
        %parallel_loop3A_659 = arith.index_cast %parallel_loop3A_658 : i32 to index
        %parallel_loop3A_660 = arith.index_cast %parallel_loop3A_648 : i32 to index
        %parallel_loop3A_661 = arith.constant 16 : index
        %parallel_loop3A_662 = tpu.vector_load %arg7[%parallel_loop3A_659, %parallel_loop3A_660, %parallel_loop3A_661] {strides = array<i32>} : memref<8x100x32xf32, #tpu.memory_space<vmem>>, vector<1x1x16xf32>,
        %parallel_loop3A_663 = vector.shape_cast %parallel_loop3A_662 : vector<1x1x16xf32> to vector<16xf32>
        %parallel_loop3A_664 = arith.addf %parallel_loop3A_649, %parallel_loop3A_657 : vector<16xf32>
        %parallel_loop3A_665 = arith.addf %parallel_loop3A_650, %parallel_loop3A_663 : vector<16xf32>
        %parallel_loop3A_666 = arith.mulf %parallel_loop3A_657, %parallel_loop3A_657 : vector<16xf32>
        %parallel_loop3A_667 = arith.addf %parallel_loop3A_651, %parallel_loop3A_666 : vector<16xf32>
        %parallel_loop3A_668 = arith.mulf %parallel_loop3A_663, %parallel_loop3A_663 : vector<16xf32>
        %parallel_loop3A_669 = arith.addf %parallel_loop3A_667, %parallel_loop3A_668 : vector<16xf32>
        scf.yield %parallel_loop3A_664, %parallel_loop3A_665, %parallel_loop3A_669 : vector<16xf32>, vector<16xf32>, vector<16xf32>
      } {sc.loop_unroll_factor = 10 : i64, sc.parallel_access}
      %mul3A_462 = arith.constant 2 : i32
      %mul3A_463 = arith.muli %add3A_446, %mul3A_462 : i32
      %add3A_464 = arith.constant 0 : i32
      %add3A_465 = arith.addi %mul3A_463, %add3A_464 : i32
      %swap3A_466 = arith.index_cast %add3A_465 : i32 to index
      %swap3A_467 = arith.constant 0 : index
      %swap3A_468 = tpu.vector_load %arg8[%swap3A_466, %swap3A_467] {strides = array<i32>} : memref<512x32xf32, #tpu.memory_space<vmem>>, vector<1x16xf32>,
      %swap3A_469 = vector.shape_cast %swap3A_468 : vector<1x16xf32> to vector<16xf32>
      %swap3A_470 = vector.shape_cast %parallel_loop3A_461#0 : vector<16xf32> to vector<1x16xf32>
      tpu.vector_store %arg8[%swap3A_466, %swap3A_467], %swap3A_470 {strides = array<i32>} : memref<512x32xf32, #tpu.memory_space<vmem>>, vector<1x16xf32>,
      %swap3A_471 = arith.index_cast %add3A_465 : i32 to index
      %swap3A_472 = arith.constant 16 : index
      %swap3A_473 = tpu.vector_load %arg8[%swap3A_471, %swap3A_472] {strides = array<i32>} : memref<512x32xf32, #tpu.memory_space<vmem>>, vector<1x16xf32>,
      %swap3A_474 = vector.shape_cast %swap3A_473 : vector<1x16xf32> to vector<16xf32>
      %swap3A_475 = vector.shape_cast %parallel_loop3A_461#1 : vector<16xf32> to vector<1x16xf32>
      tpu.vector_store %arg8[%swap3A_471, %swap3A_472], %swap3A_475 {strides = array<i32>} : memref<512x32xf32, #tpu.memory_space<vmem>>, vector<1x16xf32>,
      %swap3A_476 = arith.index_cast %add3A_465 : i32 to index
      %swap3A_477 = arith.constant 0 : index
      %swap3A_478 = tpu.vector_load %arg9[%swap3A_476, %swap3A_477] {strides = array<i32>} : memref<512x16xf32, #tpu.memory_space<vmem>>, vector<1x16xf32>,
      %swap3A_479 = vector.shape_cast %swap3A_478 : vector<1x16xf32> to vector<16xf32>
      %swap3A_480 = vector.shape_cast %parallel_loop3A_461#2 : vector<16xf32> to vector<1x16xf32>
      tpu.vector_store %arg9[%swap3A_476, %swap3A_477], %swap3A_480 {strides = array<i32>} : memref<512x16xf32, #tpu.memory_space<vmem>>, vector<1x16xf32>,
      %parallel_loop3A_481 = arith.constant 50 : i32
      %parallel_loop3A_482 = arith.constant 100 : i32
      %parallel_loop3A_483 = arith.constant 1 : i32
      %parallel_loop3A_484:3 = scf.for %parallel_loop3A_648 = %parallel_loop3A_481 to %parallel_loop3A_482 step %parallel_loop3A_483 iter_args(%parallel_loop3A_649 = %broadcast_in_dim3A_100, %parallel_loop3A_650 = %broadcast_in_dim3A_100, %parallel_loop3A_651 = %broadcast_in_dim3A_100) -> (vector<16xf32>, vector<16xf32>, vector<16xf32>)  : i32 {
        %parallel_loop3A_652 = arith.constant 5 : i32
        %parallel_loop3A_653 = arith.index_cast %parallel_loop3A_652 : i32 to index
        %parallel_loop3A_654 = arith.index_cast %parallel_loop3A_648 : i32 to index
        %parallel_loop3A_655 = arith.constant 0 : index
        %parallel_loop3A_656 = tpu.vector_load %arg7[%parallel_loop3A_653, %parallel_loop3A_654, %parallel_loop3A_655] {strides = array<i32>} : memref<8x100x32xf32, #tpu.memory_space<vmem>>, vector<1x1x16xf32>,
        %parallel_loop3A_657 = vector.shape_cast %parallel_loop3A_656 : vector<1x1x16xf32> to vector<16xf32>
        %parallel_loop3A_658 = arith.constant 5 : i32
        %parallel_loop3A_659 = arith.index_cast %parallel_loop3A_658 : i32 to index
        %parallel_loop3A_660 = arith.index_cast %parallel_loop3A_648 : i32 to index
        %parallel_loop3A_661 = arith.constant 16 : index
        %parallel_loop3A_662 = tpu.vector_load %arg7[%parallel_loop3A_659, %parallel_loop3A_660, %parallel_loop3A_661] {strides = array<i32>} : memref<8x100x32xf32, #tpu.memory_space<vmem>>, vector<1x1x16xf32>,
        %parallel_loop3A_663 = vector.shape_cast %parallel_loop3A_662 : vector<1x1x16xf32> to vector<16xf32>
        %parallel_loop3A_664 = arith.addf %parallel_loop3A_649, %parallel_loop3A_657 : vector<16xf32>
        %parallel_loop3A_665 = arith.addf %parallel_loop3A_650, %parallel_loop3A_663 : vector<16xf32>
        %parallel_loop3A_666 = arith.mulf %parallel_loop3A_657, %parallel_loop3A_657 : vector<16xf32>
        %parallel_loop3A_667 = arith.addf %parallel_loop3A_651, %parallel_loop3A_666 : vector<16xf32>
        %parallel_loop3A_668 = arith.mulf %parallel_loop3A_663, %parallel_loop3A_663 : vector<16xf32>
        %parallel_loop3A_669 = arith.addf %parallel_loop3A_667, %parallel_loop3A_668 : vector<16xf32>
        scf.yield %parallel_loop3A_664, %parallel_loop3A_665, %parallel_loop3A_669 : vector<16xf32>, vector<16xf32>, vector<16xf32>
      } {sc.loop_unroll_factor = 10 : i64, sc.parallel_access}
      %mul3A_485 = arith.constant 2 : i32
      %mul3A_486 = arith.muli %add3A_446, %mul3A_485 : i32
      %add3A_487 = arith.constant 1 : i32
      %add3A_488 = arith.addi %mul3A_486, %add3A_487 : i32
      %swap3A_489 = arith.index_cast %add3A_488 : i32 to index
      %swap3A_490 = arith.constant 0 : index
      %swap3A_491 = tpu.vector_load %arg8[%swap3A_489, %swap3A_490] {strides = array<i32>} : memref<512x32xf32, #tpu.memory_space<vmem>>, vector<1x16xf32>,
      %swap3A_492 = vector.shape_cast %swap3A_491 : vector<1x16xf32> to vector<16xf32>
      %swap3A_493 = vector.shape_cast %parallel_loop3A_484#0 : vector<16xf32> to vector<1x16xf32>
      tpu.vector_store %arg8[%swap3A_489, %swap3A_490], %swap3A_493 {strides = array<i32>} : memref<512x32xf32, #tpu.memory_space<vmem>>, vector<1x16xf32>,
      %swap3A_494 = arith.index_cast %add3A_488 : i32 to index
      %swap3A_495 = arith.constant 16 : index
      %swap3A_496 = tpu.vector_load %arg8[%swap3A_494, %swap3A_495] {strides = array<i32>} : memref<512x32xf32, #tpu.memory_space<vmem>>, vector<1x16xf32>,
      %swap3A_497 = vector.shape_cast %swap3A_496 : vector<1x16xf32> to vector<16xf32>
      %swap3A_498 = vector.shape_cast %parallel_loop3A_484#1 : vector<16xf32> to vector<1x16xf32>
      tpu.vector_store %arg8[%swap3A_494, %swap3A_495], %swap3A_498 {strides = array<i32>} : memref<512x32xf32, #tpu.memory_space<vmem>>, vector<1x16xf32>,
      %swap3A_499 = arith.index_cast %add3A_488 : i32 to index
      %swap3A_500 = arith.constant 0 : index
      %swap3A_501 = tpu.vector_load %arg9[%swap3A_499, %swap3A_500] {strides = array<i32>} : memref<512x16xf32, #tpu.memory_space<vmem>>, vector<1x16xf32>,
      %swap3A_502 = vector.shape_cast %swap3A_501 : vector<1x16xf32> to vector<16xf32>
      %swap3A_503 = vector.shape_cast %parallel_loop3A_484#2 : vector<16xf32> to vector<1x16xf32>
      tpu.vector_store %arg9[%swap3A_499, %swap3A_500], %swap3A_503 {strides = array<i32>} : memref<512x16xf32, #tpu.memory_space<vmem>>, vector<1x16xf32>,
      %add3A_504 = arith.constant 8 : i32
      %add3A_505 = arith.addi %add3A_446, %add3A_504 : i32
      %lt3A_506 = arith.constant 256 : i32
      %lt3A_507 = arith.cmpi slt, %add3A_505, %lt3A_506 : i32
      %convert_element_type3A_508 = arith.extui %lt3A_507 : i1 to i32
      %cond3A_509 = arith.constant 0 : i32
      %cond3A_510 = arith.cmpi ne, %convert_element_type3A_508, %cond3A_509 : i32
      scf.if %cond3A_510 {
        %dma_start3A_648 = arith.constant 5 : i32
        %dma_start3A_649 = arith.constant 0 : i32
        %dma_start3A_650 = arith.constant 0 : i32
        %dma_start3A_651 = tpu.memref_slice %arg7[%dma_start3A_648, %dma_start3A_649, %dma_start3A_650] : memref<8x100x32xf32, #tpu.memory_space<vmem>> -> memref<1x100x32xf32, #tpu.memory_space<vmem>>
        %dma_start3A_652 = tpu.memref_squeeze %dma_start3A_651 : memref<1x100x32xf32, #tpu.memory_space<vmem>> -> memref<100x32xf32, #tpu.memory_space<vmem>>
        %dma_start3A_653 = arith.constant 0 : i32
        %dma_start3A_654 = tpu.memref_slice %arg6[%add3A_505, %dma_start3A_653] : memref<256x100xi32, #tpu.memory_space<vmem>> -> memref<1x100xi32, #tpu.memory_space<vmem>>
        %dma_start3A_655 = tpu.memref_squeeze %dma_start3A_654 : memref<1x100xi32, #tpu.memory_space<vmem>> -> memref<100xi32, #tpu.memory_space<vmem>>
        %dma_start3A_656 = arith.constant 0 : i32
        %dma_start3A_657 = arith.constant 0 : i32
        %dma_start3A_658 = tpu.memref_slice %arg2[%dma_start3A_656, %dma_start3A_657] : memref<100000x32xf32, #tpu.memory_space<hbm>> -> memref<100000x32xf32, #tpu.memory_space<hbm>>
        tpu.enqueue_indirect_dma source(%dma_start3A_658 : memref<100000x32xf32, #tpu.memory_space<hbm>>) target(%dma_start3A_652 : memref<100x32xf32, #tpu.memory_space<vmem>>) offsets(%dma_start3A_655 : memref<100xi32, #tpu.memory_space<vmem>>) semaphore(%arg15 : memref<!tpu.dma_semaphore, #tpu.memory_space<semaphore_mem>>)
      } else {
      }
      %mul3A_511 = arith.constant 8 : i32
      %mul3A_512 = arith.muli %scan3A_107, %mul3A_511 : i32
      %add3A_513 = arith.constant 6 : i32
      %add3A_514 = arith.addi %mul3A_512, %add3A_513 : i32
      %dma_wait3A_515 = arith.constant 6 : i32
      %dma_wait3A_516 = arith.constant 0 : i32
      %dma_wait3A_517 = arith.constant 0 : i32
      %dma_wait3A_518 = tpu.memref_slice %arg7[%dma_wait3A_515, %dma_wait3A_516, %dma_wait3A_517] : memref<8x100x32xf32, #tpu.memory_space<vmem>> -> memref<1x100x32xf32, #tpu.memory_space<vmem>>
      %dma_wait3A_519 = tpu.memref_squeeze %dma_wait3A_518 : memref<1x100x32xf32, #tpu.memory_space<vmem>> -> memref<100x32xf32, #tpu.memory_space<vmem>>
      %dma_wait3A_520 = arith.constant 0 : i32
      %dma_wait3A_521 = tpu.memref_slice %arg6[%add3A_514, %dma_wait3A_520] : memref<256x100xi32, #tpu.memory_space<vmem>> -> memref<1x100xi32, #tpu.memory_space<vmem>>
      %dma_wait3A_522 = tpu.memref_squeeze %dma_wait3A_521 : memref<1x100xi32, #tpu.memory_space<vmem>> -> memref<100xi32, #tpu.memory_space<vmem>>
      %dma_wait3A_523 = arith.constant 0 : i32
      %dma_wait3A_524 = arith.constant 0 : i32
      %dma_wait3A_525 = tpu.memref_slice %arg2[%dma_wait3A_523, %dma_wait3A_524] : memref<100000x32xf32, #tpu.memory_space<hbm>> -> memref<100000x32xf32, #tpu.memory_space<hbm>>
      tpu.wait_indirect_dma semaphore(%arg16 : memref<!tpu.dma_semaphore, #tpu.memory_space<semaphore_mem>>) src(%dma_wait3A_525 : memref<100000x32xf32, #tpu.memory_space<hbm>>) dst(%dma_wait3A_519 : memref<100x32xf32, #tpu.memory_space<vmem>>)
      %parallel_loop3A_526 = arith.constant 0 : i32
      %parallel_loop3A_527 = arith.constant 50 : i32
      %parallel_loop3A_528 = arith.constant 1 : i32
      %parallel_loop3A_529:3 = scf.for %parallel_loop3A_648 = %parallel_loop3A_526 to %parallel_loop3A_527 step %parallel_loop3A_528 iter_args(%parallel_loop3A_649 = %broadcast_in_dim3A_100, %parallel_loop3A_650 = %broadcast_in_dim3A_100, %parallel_loop3A_651 = %broadcast_in_dim3A_100) -> (vector<16xf32>, vector<16xf32>, vector<16xf32>)  : i32 {
        %parallel_loop3A_652 = arith.constant 6 : i32
        %parallel_loop3A_653 = arith.index_cast %parallel_loop3A_652 : i32 to index
        %parallel_loop3A_654 = arith.index_cast %parallel_loop3A_648 : i32 to index
        %parallel_loop3A_655 = arith.constant 0 : index
        %parallel_loop3A_656 = tpu.vector_load %arg7[%parallel_loop3A_653, %parallel_loop3A_654, %parallel_loop3A_655] {strides = array<i32>} : memref<8x100x32xf32, #tpu.memory_space<vmem>>, vector<1x1x16xf32>,
        %parallel_loop3A_657 = vector.shape_cast %parallel_loop3A_656 : vector<1x1x16xf32> to vector<16xf32>
        %parallel_loop3A_658 = arith.constant 6 : i32
        %parallel_loop3A_659 = arith.index_cast %parallel_loop3A_658 : i32 to index
        %parallel_loop3A_660 = arith.index_cast %parallel_loop3A_648 : i32 to index
        %parallel_loop3A_661 = arith.constant 16 : index
        %parallel_loop3A_662 = tpu.vector_load %arg7[%parallel_loop3A_659, %parallel_loop3A_660, %parallel_loop3A_661] {strides = array<i32>} : memref<8x100x32xf32, #tpu.memory_space<vmem>>, vector<1x1x16xf32>,
        %parallel_loop3A_663 = vector.shape_cast %parallel_loop3A_662 : vector<1x1x16xf32> to vector<16xf32>
        %parallel_loop3A_664 = arith.addf %parallel_loop3A_649, %parallel_loop3A_657 : vector<16xf32>
        %parallel_loop3A_665 = arith.addf %parallel_loop3A_650, %parallel_loop3A_663 : vector<16xf32>
        %parallel_loop3A_666 = arith.mulf %parallel_loop3A_657, %parallel_loop3A_657 : vector<16xf32>
        %parallel_loop3A_667 = arith.addf %parallel_loop3A_651, %parallel_loop3A_666 : vector<16xf32>
        %parallel_loop3A_668 = arith.mulf %parallel_loop3A_663, %parallel_loop3A_663 : vector<16xf32>
        %parallel_loop3A_669 = arith.addf %parallel_loop3A_667, %parallel_loop3A_668 : vector<16xf32>
        scf.yield %parallel_loop3A_664, %parallel_loop3A_665, %parallel_loop3A_669 : vector<16xf32>, vector<16xf32>, vector<16xf32>
      } {sc.loop_unroll_factor = 10 : i64, sc.parallel_access}
      %mul3A_530 = arith.constant 2 : i32
      %mul3A_531 = arith.muli %add3A_514, %mul3A_530 : i32
      %add3A_532 = arith.constant 0 : i32
      %add3A_533 = arith.addi %mul3A_531, %add3A_532 : i32
      %swap3A_534 = arith.index_cast %add3A_533 : i32 to index
      %swap3A_535 = arith.constant 0 : index
      %swap3A_536 = tpu.vector_load %arg8[%swap3A_534, %swap3A_535] {strides = array<i32>} : memref<512x32xf32, #tpu.memory_space<vmem>>, vector<1x16xf32>,
      %swap3A_537 = vector.shape_cast %swap3A_536 : vector<1x16xf32> to vector<16xf32>
      %swap3A_538 = vector.shape_cast %parallel_loop3A_529#0 : vector<16xf32> to vector<1x16xf32>
      tpu.vector_store %arg8[%swap3A_534, %swap3A_535], %swap3A_538 {strides = array<i32>} : memref<512x32xf32, #tpu.memory_space<vmem>>, vector<1x16xf32>,
      %swap3A_539 = arith.index_cast %add3A_533 : i32 to index
      %swap3A_540 = arith.constant 16 : index
      %swap3A_541 = tpu.vector_load %arg8[%swap3A_539, %swap3A_540] {strides = array<i32>} : memref<512x32xf32, #tpu.memory_space<vmem>>, vector<1x16xf32>,
      %swap3A_542 = vector.shape_cast %swap3A_541 : vector<1x16xf32> to vector<16xf32>
      %swap3A_543 = vector.shape_cast %parallel_loop3A_529#1 : vector<16xf32> to vector<1x16xf32>
      tpu.vector_store %arg8[%swap3A_539, %swap3A_540], %swap3A_543 {strides = array<i32>} : memref<512x32xf32, #tpu.memory_space<vmem>>, vector<1x16xf32>,
      %swap3A_544 = arith.index_cast %add3A_533 : i32 to index
      %swap3A_545 = arith.constant 0 : index
      %swap3A_546 = tpu.vector_load %arg9[%swap3A_544, %swap3A_545] {strides = array<i32>} : memref<512x16xf32, #tpu.memory_space<vmem>>, vector<1x16xf32>,
      %swap3A_547 = vector.shape_cast %swap3A_546 : vector<1x16xf32> to vector<16xf32>
      %swap3A_548 = vector.shape_cast %parallel_loop3A_529#2 : vector<16xf32> to vector<1x16xf32>
      tpu.vector_store %arg9[%swap3A_544, %swap3A_545], %swap3A_548 {strides = array<i32>} : memref<512x16xf32, #tpu.memory_space<vmem>>, vector<1x16xf32>,
      %parallel_loop3A_549 = arith.constant 50 : i32
      %parallel_loop3A_550 = arith.constant 100 : i32
      %parallel_loop3A_551 = arith.constant 1 : i32
      %parallel_loop3A_552:3 = scf.for %parallel_loop3A_648 = %parallel_loop3A_549 to %parallel_loop3A_550 step %parallel_loop3A_551 iter_args(%parallel_loop3A_649 = %broadcast_in_dim3A_100, %parallel_loop3A_650 = %broadcast_in_dim3A_100, %parallel_loop3A_651 = %broadcast_in_dim3A_100) -> (vector<16xf32>, vector<16xf32>, vector<16xf32>)  : i32 {
        %parallel_loop3A_652 = arith.constant 6 : i32
        %parallel_loop3A_653 = arith.index_cast %parallel_loop3A_652 : i32 to index
        %parallel_loop3A_654 = arith.index_cast %parallel_loop3A_648 : i32 to index
        %parallel_loop3A_655 = arith.constant 0 : index
        %parallel_loop3A_656 = tpu.vector_load %arg7[%parallel_loop3A_653, %parallel_loop3A_654, %parallel_loop3A_655] {strides = array<i32>} : memref<8x100x32xf32, #tpu.memory_space<vmem>>, vector<1x1x16xf32>,
        %parallel_loop3A_657 = vector.shape_cast %parallel_loop3A_656 : vector<1x1x16xf32> to vector<16xf32>
        %parallel_loop3A_658 = arith.constant 6 : i32
        %parallel_loop3A_659 = arith.index_cast %parallel_loop3A_658 : i32 to index
        %parallel_loop3A_660 = arith.index_cast %parallel_loop3A_648 : i32 to index
        %parallel_loop3A_661 = arith.constant 16 : index
        %parallel_loop3A_662 = tpu.vector_load %arg7[%parallel_loop3A_659, %parallel_loop3A_660, %parallel_loop3A_661] {strides = array<i32>} : memref<8x100x32xf32, #tpu.memory_space<vmem>>, vector<1x1x16xf32>,
        %parallel_loop3A_663 = vector.shape_cast %parallel_loop3A_662 : vector<1x1x16xf32> to vector<16xf32>
        %parallel_loop3A_664 = arith.addf %parallel_loop3A_649, %parallel_loop3A_657 : vector<16xf32>
        %parallel_loop3A_665 = arith.addf %parallel_loop3A_650, %parallel_loop3A_663 : vector<16xf32>
        %parallel_loop3A_666 = arith.mulf %parallel_loop3A_657, %parallel_loop3A_657 : vector<16xf32>
        %parallel_loop3A_667 = arith.addf %parallel_loop3A_651, %parallel_loop3A_666 : vector<16xf32>
        %parallel_loop3A_668 = arith.mulf %parallel_loop3A_663, %parallel_loop3A_663 : vector<16xf32>
        %parallel_loop3A_669 = arith.addf %parallel_loop3A_667, %parallel_loop3A_668 : vector<16xf32>
        scf.yield %parallel_loop3A_664, %parallel_loop3A_665, %parallel_loop3A_669 : vector<16xf32>, vector<16xf32>, vector<16xf32>
      } {sc.loop_unroll_factor = 10 : i64, sc.parallel_access}
      %mul3A_553 = arith.constant 2 : i32
      %mul3A_554 = arith.muli %add3A_514, %mul3A_553 : i32
      %add3A_555 = arith.constant 1 : i32
      %add3A_556 = arith.addi %mul3A_554, %add3A_555 : i32
      %swap3A_557 = arith.index_cast %add3A_556 : i32 to index
      %swap3A_558 = arith.constant 0 : index
      %swap3A_559 = tpu.vector_load %arg8[%swap3A_557, %swap3A_558] {strides = array<i32>} : memref<512x32xf32, #tpu.memory_space<vmem>>, vector<1x16xf32>,
      %swap3A_560 = vector.shape_cast %swap3A_559 : vector<1x16xf32> to vector<16xf32>
      %swap3A_561 = vector.shape_cast %parallel_loop3A_552#0 : vector<16xf32> to vector<1x16xf32>
      tpu.vector_store %arg8[%swap3A_557, %swap3A_558], %swap3A_561 {strides = array<i32>} : memref<512x32xf32, #tpu.memory_space<vmem>>, vector<1x16xf32>,
      %swap3A_562 = arith.index_cast %add3A_556 : i32 to index
      %swap3A_563 = arith.constant 16 : index
      %swap3A_564 = tpu.vector_load %arg8[%swap3A_562, %swap3A_563] {strides = array<i32>} : memref<512x32xf32, #tpu.memory_space<vmem>>, vector<1x16xf32>,
      %swap3A_565 = vector.shape_cast %swap3A_564 : vector<1x16xf32> to vector<16xf32>
      %swap3A_566 = vector.shape_cast %parallel_loop3A_552#1 : vector<16xf32> to vector<1x16xf32>
      tpu.vector_store %arg8[%swap3A_562, %swap3A_563], %swap3A_566 {strides = array<i32>} : memref<512x32xf32, #tpu.memory_space<vmem>>, vector<1x16xf32>,
      %swap3A_567 = arith.index_cast %add3A_556 : i32 to index
      %swap3A_568 = arith.constant 0 : index
      %swap3A_569 = tpu.vector_load %arg9[%swap3A_567, %swap3A_568] {strides = array<i32>} : memref<512x16xf32, #tpu.memory_space<vmem>>, vector<1x16xf32>,
      %swap3A_570 = vector.shape_cast %swap3A_569 : vector<1x16xf32> to vector<16xf32>
      %swap3A_571 = vector.shape_cast %parallel_loop3A_552#2 : vector<16xf32> to vector<1x16xf32>
      tpu.vector_store %arg9[%swap3A_567, %swap3A_568], %swap3A_571 {strides = array<i32>} : memref<512x16xf32, #tpu.memory_space<vmem>>, vector<1x16xf32>,
      %add3A_572 = arith.constant 8 : i32
      %add3A_573 = arith.addi %add3A_514, %add3A_572 : i32
      %lt3A_574 = arith.constant 256 : i32
      %lt3A_575 = arith.cmpi slt, %add3A_573, %lt3A_574 : i32
      %convert_element_type3A_576 = arith.extui %lt3A_575 : i1 to i32
      %cond3A_577 = arith.constant 0 : i32
      %cond3A_578 = arith.cmpi ne, %convert_element_type3A_576, %cond3A_577 : i32
      scf.if %cond3A_578 {
        %dma_start3A_648 = arith.constant 6 : i32
        %dma_start3A_649 = arith.constant 0 : i32
        %dma_start3A_650 = arith.constant 0 : i32
        %dma_start3A_651 = tpu.memref_slice %arg7[%dma_start3A_648, %dma_start3A_649, %dma_start3A_650] : memref<8x100x32xf32, #tpu.memory_space<vmem>> -> memref<1x100x32xf32, #tpu.memory_space<vmem>>
        %dma_start3A_652 = tpu.memref_squeeze %dma_start3A_651 : memref<1x100x32xf32, #tpu.memory_space<vmem>> -> memref<100x32xf32, #tpu.memory_space<vmem>>
        %dma_start3A_653 = arith.constant 0 : i32
        %dma_start3A_654 = tpu.memref_slice %arg6[%add3A_573, %dma_start3A_653] : memref<256x100xi32, #tpu.memory_space<vmem>> -> memref<1x100xi32, #tpu.memory_space<vmem>>
        %dma_start3A_655 = tpu.memref_squeeze %dma_start3A_654 : memref<1x100xi32, #tpu.memory_space<vmem>> -> memref<100xi32, #tpu.memory_space<vmem>>
        %dma_start3A_656 = arith.constant 0 : i32
        %dma_start3A_657 = arith.constant 0 : i32
        %dma_start3A_658 = tpu.memref_slice %arg2[%dma_start3A_656, %dma_start3A_657] : memref<100000x32xf32, #tpu.memory_space<hbm>> -> memref<100000x32xf32, #tpu.memory_space<hbm>>
        tpu.enqueue_indirect_dma source(%dma_start3A_658 : memref<100000x32xf32, #tpu.memory_space<hbm>>) target(%dma_start3A_652 : memref<100x32xf32, #tpu.memory_space<vmem>>) offsets(%dma_start3A_655 : memref<100xi32, #tpu.memory_space<vmem>>) semaphore(%arg16 : memref<!tpu.dma_semaphore, #tpu.memory_space<semaphore_mem>>)
      } else {
      }
      %mul3A_579 = arith.constant 8 : i32
      %mul3A_580 = arith.muli %scan3A_107, %mul3A_579 : i32
      %add3A_581 = arith.constant 7 : i32
      %add3A_582 = arith.addi %mul3A_580, %add3A_581 : i32
      %dma_wait3A_583 = arith.constant 7 : i32
      %dma_wait3A_584 = arith.constant 0 : i32
      %dma_wait3A_585 = arith.constant 0 : i32
      %dma_wait3A_586 = tpu.memref_slice %arg7[%dma_wait3A_583, %dma_wait3A_584, %dma_wait3A_585] : memref<8x100x32xf32, #tpu.memory_space<vmem>> -> memref<1x100x32xf32, #tpu.memory_space<vmem>>
      %dma_wait3A_587 = tpu.memref_squeeze %dma_wait3A_586 : memref<1x100x32xf32, #tpu.memory_space<vmem>> -> memref<100x32xf32, #tpu.memory_space<vmem>>
      %dma_wait3A_588 = arith.constant 0 : i32
      %dma_wait3A_589 = tpu.memref_slice %arg6[%add3A_582, %dma_wait3A_588] : memref<256x100xi32, #tpu.memory_space<vmem>> -> memref<1x100xi32, #tpu.memory_space<vmem>>
      %dma_wait3A_590 = tpu.memref_squeeze %dma_wait3A_589 : memref<1x100xi32, #tpu.memory_space<vmem>> -> memref<100xi32, #tpu.memory_space<vmem>>
      %dma_wait3A_591 = arith.constant 0 : i32
      %dma_wait3A_592 = arith.constant 0 : i32
      %dma_wait3A_593 = tpu.memref_slice %arg2[%dma_wait3A_591, %dma_wait3A_592] : memref<100000x32xf32, #tpu.memory_space<hbm>> -> memref<100000x32xf32, #tpu.memory_space<hbm>>
      tpu.wait_indirect_dma semaphore(%arg17 : memref<!tpu.dma_semaphore, #tpu.memory_space<semaphore_mem>>) src(%dma_wait3A_593 : memref<100000x32xf32, #tpu.memory_space<hbm>>) dst(%dma_wait3A_587 : memref<100x32xf32, #tpu.memory_space<vmem>>)
      %parallel_loop3A_594 = arith.constant 0 : i32
      %parallel_loop3A_595 = arith.constant 50 : i32
      %parallel_loop3A_596 = arith.constant 1 : i32
      %parallel_loop3A_597:3 = scf.for %parallel_loop3A_648 = %parallel_loop3A_594 to %parallel_loop3A_595 step %parallel_loop3A_596 iter_args(%parallel_loop3A_649 = %broadcast_in_dim3A_100, %parallel_loop3A_650 = %broadcast_in_dim3A_100, %parallel_loop3A_651 = %broadcast_in_dim3A_100) -> (vector<16xf32>, vector<16xf32>, vector<16xf32>)  : i32 {
        %parallel_loop3A_652 = arith.constant 7 : i32
        %parallel_loop3A_653 = arith.index_cast %parallel_loop3A_652 : i32 to index
        %parallel_loop3A_654 = arith.index_cast %parallel_loop3A_648 : i32 to index
        %parallel_loop3A_655 = arith.constant 0 : index
        %parallel_loop3A_656 = tpu.vector_load %arg7[%parallel_loop3A_653, %parallel_loop3A_654, %parallel_loop3A_655] {strides = array<i32>} : memref<8x100x32xf32, #tpu.memory_space<vmem>>, vector<1x1x16xf32>,
        %parallel_loop3A_657 = vector.shape_cast %parallel_loop3A_656 : vector<1x1x16xf32> to vector<16xf32>
        %parallel_loop3A_658 = arith.constant 7 : i32
        %parallel_loop3A_659 = arith.index_cast %parallel_loop3A_658 : i32 to index
        %parallel_loop3A_660 = arith.index_cast %parallel_loop3A_648 : i32 to index
        %parallel_loop3A_661 = arith.constant 16 : index
        %parallel_loop3A_662 = tpu.vector_load %arg7[%parallel_loop3A_659, %parallel_loop3A_660, %parallel_loop3A_661] {strides = array<i32>} : memref<8x100x32xf32, #tpu.memory_space<vmem>>, vector<1x1x16xf32>,
        %parallel_loop3A_663 = vector.shape_cast %parallel_loop3A_662 : vector<1x1x16xf32> to vector<16xf32>
        %parallel_loop3A_664 = arith.addf %parallel_loop3A_649, %parallel_loop3A_657 : vector<16xf32>
        %parallel_loop3A_665 = arith.addf %parallel_loop3A_650, %parallel_loop3A_663 : vector<16xf32>
        %parallel_loop3A_666 = arith.mulf %parallel_loop3A_657, %parallel_loop3A_657 : vector<16xf32>
        %parallel_loop3A_667 = arith.addf %parallel_loop3A_651, %parallel_loop3A_666 : vector<16xf32>
        %parallel_loop3A_668 = arith.mulf %parallel_loop3A_663, %parallel_loop3A_663 : vector<16xf32>
        %parallel_loop3A_669 = arith.addf %parallel_loop3A_667, %parallel_loop3A_668 : vector<16xf32>
        scf.yield %parallel_loop3A_664, %parallel_loop3A_665, %parallel_loop3A_669 : vector<16xf32>, vector<16xf32>, vector<16xf32>
      } {sc.loop_unroll_factor = 10 : i64, sc.parallel_access}
      %mul3A_598 = arith.constant 2 : i32
      %mul3A_599 = arith.muli %add3A_582, %mul3A_598 : i32
      %add3A_600 = arith.constant 0 : i32
      %add3A_601 = arith.addi %mul3A_599, %add3A_600 : i32
      %swap3A_602 = arith.index_cast %add3A_601 : i32 to index
      %swap3A_603 = arith.constant 0 : index
      %swap3A_604 = tpu.vector_load %arg8[%swap3A_602, %swap3A_603] {strides = array<i32>} : memref<512x32xf32, #tpu.memory_space<vmem>>, vector<1x16xf32>,
      %swap3A_605 = vector.shape_cast %swap3A_604 : vector<1x16xf32> to vector<16xf32>
      %swap3A_606 = vector.shape_cast %parallel_loop3A_597#0 : vector<16xf32> to vector<1x16xf32>
      tpu.vector_store %arg8[%swap3A_602, %swap3A_603], %swap3A_606 {strides = array<i32>} : memref<512x32xf32, #tpu.memory_space<vmem>>, vector<1x16xf32>,
      %swap3A_607 = arith.index_cast %add3A_601 : i32 to index
      %swap3A_608 = arith.constant 16 : index
      %swap3A_609 = tpu.vector_load %arg8[%swap3A_607, %swap3A_608] {strides = array<i32>} : memref<512x32xf32, #tpu.memory_space<vmem>>, vector<1x16xf32>,
      %swap3A_610 = vector.shape_cast %swap3A_609 : vector<1x16xf32> to vector<16xf32>
      %swap3A_611 = vector.shape_cast %parallel_loop3A_597#1 : vector<16xf32> to vector<1x16xf32>
      tpu.vector_store %arg8[%swap3A_607, %swap3A_608], %swap3A_611 {strides = array<i32>} : memref<512x32xf32, #tpu.memory_space<vmem>>, vector<1x16xf32>,
      %swap3A_612 = arith.index_cast %add3A_601 : i32 to index
      %swap3A_613 = arith.constant 0 : index
      %swap3A_614 = tpu.vector_load %arg9[%swap3A_612, %swap3A_613] {strides = array<i32>} : memref<512x16xf32, #tpu.memory_space<vmem>>, vector<1x16xf32>,
      %swap3A_615 = vector.shape_cast %swap3A_614 : vector<1x16xf32> to vector<16xf32>
      %swap3A_616 = vector.shape_cast %parallel_loop3A_597#2 : vector<16xf32> to vector<1x16xf32>
      tpu.vector_store %arg9[%swap3A_612, %swap3A_613], %swap3A_616 {strides = array<i32>} : memref<512x16xf32, #tpu.memory_space<vmem>>, vector<1x16xf32>,
      %parallel_loop3A_617 = arith.constant 50 : i32
      %parallel_loop3A_618 = arith.constant 100 : i32
      %parallel_loop3A_619 = arith.constant 1 : i32
      %parallel_loop3A_620:3 = scf.for %parallel_loop3A_648 = %parallel_loop3A_617 to %parallel_loop3A_618 step %parallel_loop3A_619 iter_args(%parallel_loop3A_649 = %broadcast_in_dim3A_100, %parallel_loop3A_650 = %broadcast_in_dim3A_100, %parallel_loop3A_651 = %broadcast_in_dim3A_100) -> (vector<16xf32>, vector<16xf32>, vector<16xf32>)  : i32 {
        %parallel_loop3A_652 = arith.constant 7 : i32
        %parallel_loop3A_653 = arith.index_cast %parallel_loop3A_652 : i32 to index
        %parallel_loop3A_654 = arith.index_cast %parallel_loop3A_648 : i32 to index
        %parallel_loop3A_655 = arith.constant 0 : index
        %parallel_loop3A_656 = tpu.vector_load %arg7[%parallel_loop3A_653, %parallel_loop3A_654, %parallel_loop3A_655] {strides = array<i32>} : memref<8x100x32xf32, #tpu.memory_space<vmem>>, vector<1x1x16xf32>,
        %parallel_loop3A_657 = vector.shape_cast %parallel_loop3A_656 : vector<1x1x16xf32> to vector<16xf32>
        %parallel_loop3A_658 = arith.constant 7 : i32
        %parallel_loop3A_659 = arith.index_cast %parallel_loop3A_658 : i32 to index
        %parallel_loop3A_660 = arith.index_cast %parallel_loop3A_648 : i32 to index
        %parallel_loop3A_661 = arith.constant 16 : index
        %parallel_loop3A_662 = tpu.vector_load %arg7[%parallel_loop3A_659, %parallel_loop3A_660, %parallel_loop3A_661] {strides = array<i32>} : memref<8x100x32xf32, #tpu.memory_space<vmem>>, vector<1x1x16xf32>,
        %parallel_loop3A_663 = vector.shape_cast %parallel_loop3A_662 : vector<1x1x16xf32> to vector<16xf32>
        %parallel_loop3A_664 = arith.addf %parallel_loop3A_649, %parallel_loop3A_657 : vector<16xf32>
        %parallel_loop3A_665 = arith.addf %parallel_loop3A_650, %parallel_loop3A_663 : vector<16xf32>
        %parallel_loop3A_666 = arith.mulf %parallel_loop3A_657, %parallel_loop3A_657 : vector<16xf32>
        %parallel_loop3A_667 = arith.addf %parallel_loop3A_651, %parallel_loop3A_666 : vector<16xf32>
        %parallel_loop3A_668 = arith.mulf %parallel_loop3A_663, %parallel_loop3A_663 : vector<16xf32>
        %parallel_loop3A_669 = arith.addf %parallel_loop3A_667, %parallel_loop3A_668 : vector<16xf32>
        scf.yield %parallel_loop3A_664, %parallel_loop3A_665, %parallel_loop3A_669 : vector<16xf32>, vector<16xf32>, vector<16xf32>
      } {sc.loop_unroll_factor = 10 : i64, sc.parallel_access}
      %mul3A_621 = arith.constant 2 : i32
      %mul3A_622 = arith.muli %add3A_582, %mul3A_621 : i32
      %add3A_623 = arith.constant 1 : i32
      %add3A_624 = arith.addi %mul3A_622, %add3A_623 : i32
      %swap3A_625 = arith.index_cast %add3A_624 : i32 to index
      %swap3A_626 = arith.constant 0 : index
      %swap3A_627 = tpu.vector_load %arg8[%swap3A_625, %swap3A_626] {strides = array<i32>} : memref<512x32xf32, #tpu.memory_space<vmem>>, vector<1x16xf32>,
      %swap3A_628 = vector.shape_cast %swap3A_627 : vector<1x16xf32> to vector<16xf32>
      %swap3A_629 = vector.shape_cast %parallel_loop3A_620#0 : vector<16xf32> to vector<1x16xf32>
      tpu.vector_store %arg8[%swap3A_625, %swap3A_626], %swap3A_629 {strides = array<i32>} : memref<512x32xf32, #tpu.memory_space<vmem>>, vector<1x16xf32>,
      %swap3A_630 = arith.index_cast %add3A_624 : i32 to index
      %swap3A_631 = arith.constant 16 : index
      %swap3A_632 = tpu.vector_load %arg8[%swap3A_630, %swap3A_631] {strides = array<i32>} : memref<512x32xf32, #tpu.memory_space<vmem>>, vector<1x16xf32>,
      %swap3A_633 = vector.shape_cast %swap3A_632 : vector<1x16xf32> to vector<16xf32>
      %swap3A_634 = vector.shape_cast %parallel_loop3A_620#1 : vector<16xf32> to vector<1x16xf32>
      tpu.vector_store %arg8[%swap3A_630, %swap3A_631], %swap3A_634 {strides = array<i32>} : memref<512x32xf32, #tpu.memory_space<vmem>>, vector<1x16xf32>,
      %swap3A_635 = arith.index_cast %add3A_624 : i32 to index
      %swap3A_636 = arith.constant 0 : index
      %swap3A_637 = tpu.vector_load %arg9[%swap3A_635, %swap3A_636] {strides = array<i32>} : memref<512x16xf32, #tpu.memory_space<vmem>>, vector<1x16xf32>,
      %swap3A_638 = vector.shape_cast %swap3A_637 : vector<1x16xf32> to vector<16xf32>
      %swap3A_639 = vector.shape_cast %parallel_loop3A_620#2 : vector<16xf32> to vector<1x16xf32>
      tpu.vector_store %arg9[%swap3A_635, %swap3A_636], %swap3A_639 {strides = array<i32>} : memref<512x16xf32, #tpu.memory_space<vmem>>, vector<1x16xf32>,
      %add3A_640 = arith.constant 8 : i32
      %add3A_641 = arith.addi %add3A_582, %add3A_640 : i32
      %lt3A_642 = arith.constant 256 : i32
      %lt3A_643 = arith.cmpi slt, %add3A_641, %lt3A_642 : i32
      %convert_element_type3A_644 = arith.extui %lt3A_643 : i1 to i32
      %cond3A_645 = arith.constant 0 : i32
      %cond3A_646 = arith.cmpi ne, %convert_element_type3A_644, %cond3A_645 : i32
      scf.if %cond3A_646 {
        %dma_start3A_648 = arith.constant 7 : i32
        %dma_start3A_649 = arith.constant 0 : i32
        %dma_start3A_650 = arith.constant 0 : i32
        %dma_start3A_651 = tpu.memref_slice %arg7[%dma_start3A_648, %dma_start3A_649, %dma_start3A_650] : memref<8x100x32xf32, #tpu.memory_space<vmem>> -> memref<1x100x32xf32, #tpu.memory_space<vmem>>
        %dma_start3A_652 = tpu.memref_squeeze %dma_start3A_651 : memref<1x100x32xf32, #tpu.memory_space<vmem>> -> memref<100x32xf32, #tpu.memory_space<vmem>>
        %dma_start3A_653 = arith.constant 0 : i32
        %dma_start3A_654 = tpu.memref_slice %arg6[%add3A_641, %dma_start3A_653] : memref<256x100xi32, #tpu.memory_space<vmem>> -> memref<1x100xi32, #tpu.memory_space<vmem>>
        %dma_start3A_655 = tpu.memref_squeeze %dma_start3A_654 : memref<1x100xi32, #tpu.memory_space<vmem>> -> memref<100xi32, #tpu.memory_space<vmem>>
        %dma_start3A_656 = arith.constant 0 : i32
        %dma_start3A_657 = arith.constant 0 : i32
        %dma_start3A_658 = tpu.memref_slice %arg2[%dma_start3A_656, %dma_start3A_657] : memref<100000x32xf32, #tpu.memory_space<hbm>> -> memref<100000x32xf32, #tpu.memory_space<hbm>>
        tpu.enqueue_indirect_dma source(%dma_start3A_658 : memref<100000x32xf32, #tpu.memory_space<hbm>>) target(%dma_start3A_652 : memref<100x32xf32, #tpu.memory_space<vmem>>) offsets(%dma_start3A_655 : memref<100xi32, #tpu.memory_space<vmem>>) semaphore(%arg17 : memref<!tpu.dma_semaphore, #tpu.memory_space<semaphore_mem>>)
      } else {
      }
      %scan3A_647 = arith.constant 0 : i32
      scf.yield %scan3A_647 : i32
    }
    %scan3A_106 = arith.constant 32 : i32
    "tpu.region"() ({
      %run_scoped3A = tpu.sem_alloc : memref<!tpu.dma_semaphore, #tpu.memory_space<semaphore_mem>>
      %dma_start3A_107 = arith.constant 0 : i32
      %dma_start3A_108 = tpu.memref_slice %arg4[%mul3A_2, %dma_start3A_107] : memref<16384x32xf32, #tpu.memory_space<hbm>> -> memref<512x32xf32, #tpu.memory_space<hbm>>
      %dma_start3A_109 = arith.constant 0 : i32
      %dma_start3A_110 = tpu.memref_slice %arg4[%mul3A_2, %dma_start3A_109] : memref<16384x32xf32, #tpu.memory_space<hbm>> -> memref<512x32xf32, #tpu.memory_space<hbm>>
      tpu.enqueue_dma source(%arg8 : memref<512x32xf32, #tpu.memory_space<vmem>>) target(%dma_start3A_110 : memref<512x32xf32, #tpu.memory_space<hbm>>) target_semaphore(%run_scoped3A : memref<!tpu.dma_semaphore, #tpu.memory_space<semaphore_mem>>)
      %dma_wait3A = arith.constant 0 : i32
      %dma_wait3A_111 = tpu.memref_slice %arg4[%mul3A_2, %dma_wait3A] : memref<16384x32xf32, #tpu.memory_space<hbm>> -> memref<512x32xf32, #tpu.memory_space<hbm>>
      %dma_wait3A_112 = arith.constant 0 : i32
      %dma_wait3A_113 = tpu.memref_slice %arg4[%mul3A_2, %dma_wait3A_112] : memref<16384x32xf32, #tpu.memory_space<hbm>> -> memref<512x32xf32, #tpu.memory_space<hbm>>
      tpu.wait_dma2 semaphore(%run_scoped3A : memref<!tpu.dma_semaphore, #tpu.memory_space<semaphore_mem>>) src(%arg8 : memref<512x32xf32, #tpu.memory_space<vmem>>) dst(%dma_wait3A_113 : memref<512x32xf32, #tpu.memory_space<hbm>>)
      tpu.yield
    }) : () -> ()
    "tpu.region"() ({
      %run_scoped3A = tpu.sem_alloc : memref<!tpu.dma_semaphore, #tpu.memory_space<semaphore_mem>>
      %dma_start3A_107 = arith.constant 0 : i32
      %dma_start3A_108 = tpu.memref_slice %arg5[%mul3A_2, %dma_start3A_107] : memref<16384x16xf32, #tpu.memory_space<hbm>> -> memref<512x16xf32, #tpu.memory_space<hbm>>
      %dma_start3A_109 = arith.constant 0 : i32
      %dma_start3A_110 = tpu.memref_slice %arg5[%mul3A_2, %dma_start3A_109] : memref<16384x16xf32, #tpu.memory_space<hbm>> -> memref<512x16xf32, #tpu.memory_space<hbm>>
      tpu.enqueue_dma source(%arg9 : memref<512x16xf32, #tpu.memory_space<vmem>>) target(%dma_start3A_110 : memref<512x16xf32, #tpu.memory_space<hbm>>) target_semaphore(%run_scoped3A : memref<!tpu.dma_semaphore, #tpu.memory_space<semaphore_mem>>)
      %dma_wait3A = arith.constant 0 : i32
      %dma_wait3A_111 = tpu.memref_slice %arg5[%mul3A_2, %dma_wait3A] : memref<16384x16xf32, #tpu.memory_space<hbm>> -> memref<512x16xf32, #tpu.memory_space<hbm>>
      %dma_wait3A_112 = arith.constant 0 : i32
      %dma_wait3A_113 = tpu.memref_slice %arg5[%mul3A_2, %dma_wait3A_112] : memref<16384x16xf32, #tpu.memory_space<hbm>> -> memref<512x16xf32, #tpu.memory_space<hbm>>
      tpu.wait_dma2 semaphore(%run_scoped3A : memref<!tpu.dma_semaphore, #tpu.memory_space<semaphore_mem>>) src(%arg9 : memref<512x16xf32, #tpu.memory_space<vmem>>) dst(%dma_wait3A_113 : memref<512x16xf32, #tpu.memory_space<hbm>>)
      tpu.yield
    }) : () -> ()
    return
  }
}

module attributes {stable_mosaic.version = 14 : i64} {
  func.func @_renorm_tags_body(%arg0: i32, %arg1: memref<1000x128xf32, #tpu.memory_space<vmem>>, %arg2: memref<1000x128xf32, #tpu.memory_space<vmem>>) attributes {dimension_semantics = [#tpu.dimension_semantics<arbitrary>], iteration_bounds = array<i64: 25>, scalar_prefetch = 0 : i64, scratch_operands = 0 : i64, tpu.core_type = #tpu.core_type<tc>, window_params = [{transform_indices = @transform_0, window_bounds = array<i64: 1000, 128>}, {transform_indices = @transform_1, window_bounds = array<i64: 1000, 128>}]} {
    %get3A = arith.constant 0 : index
    %get3A_0 = arith.constant 0 : index
    %get3A_1 = vector.load %arg1[%get3A, %get3A_0] : memref<1000x128xf32, #tpu.memory_space<vmem>>, vector<1000x128xf32>
    %iota3A = tpu.iota {dimensions = array<i32: 0>} : vector<128x128xi32>
    %jit3A = arith.constant 32 : i32
    %div3A = vector.broadcast %jit3A : i32 to vector<128x128xi32>
    %div3A_2 = arith.divsi %iota3A, %div3A : vector<128x128xi32>
    %sign3A = arith.constant 0 : i32
    %sign3A_3 = vector.broadcast %sign3A : i32 to vector<128x128xi32>
    %sign3A_4 = arith.cmpi sgt, %iota3A, %sign3A_3 : vector<128x128xi32>
    %sign3A_5 = arith.extui %sign3A_4 : vector<128x128xi1> to vector<128x128xi32>
    %sign3A_6 = arith.constant 0 : i32
    %sign3A_7 = vector.broadcast %sign3A_6 : i32 to vector<128x128xi32>
    %sign3A_8 = arith.cmpi slt, %iota3A, %sign3A_7 : vector<128x128xi32>
    %sign3A_9 = arith.extui %sign3A_8 : vector<128x128xi1> to vector<128x128xi32>
    %sign3A_10 = arith.subi %sign3A_5, %sign3A_9 : vector<128x128xi32>
    %sign3A_11 = arith.constant 0 : i32
    %sign3A_12 = arith.cmpi sgt, %jit3A, %sign3A_11 : i32
    %sign3A_13 = arith.extui %sign3A_12 : i1 to i32
    %sign3A_14 = arith.constant 0 : i32
    %sign3A_15 = arith.cmpi slt, %jit3A, %sign3A_14 : i32
    %sign3A_16 = arith.extui %sign3A_15 : i1 to i32
    %sign3A_17 = arith.subi %sign3A_13, %sign3A_16 : i32
    %ne3A = vector.broadcast %sign3A_17 : i32 to vector<128x128xi32>
    %ne3A_18 = arith.cmpi ne, %sign3A_10, %ne3A : vector<128x128xi32>
    %rem3A = vector.broadcast %jit3A : i32 to vector<128x128xi32>
    %rem3A_19 = arith.remsi %iota3A, %rem3A : vector<128x128xi32>
    %ne3A_20 = arith.constant 0 : i32
    %ne3A_21 = vector.broadcast %ne3A_20 : i32 to vector<128x128xi32>
    %ne3A_22 = arith.cmpi ne, %rem3A_19, %ne3A_21 : vector<128x128xi32>
    %and3A = arith.andi %ne3A_18, %ne3A_22 : vector<128x128xi1>
    %sub3A = arith.constant 1 : i32
    %sub3A_23 = vector.broadcast %sub3A : i32 to vector<128x128xi32>
    %sub3A_24 = arith.subi %div3A_2, %sub3A_23 : vector<128x128xi32>
    %select_n3A = arith.select %and3A, %sub3A_24, %div3A_2 : vector<128x128xi1>, vector<128x128xi32>
    %iota3A_25 = tpu.iota {dimensions = array<i32: 1>} : vector<128x128xi32>
    %jit3A_26 = arith.constant 32 : i32
    %div3A_27 = vector.broadcast %jit3A_26 : i32 to vector<128x128xi32>
    %div3A_28 = arith.divsi %iota3A_25, %div3A_27 : vector<128x128xi32>
    %sign3A_29 = arith.constant 0 : i32
    %sign3A_30 = vector.broadcast %sign3A_29 : i32 to vector<128x128xi32>
    %sign3A_31 = arith.cmpi sgt, %iota3A_25, %sign3A_30 : vector<128x128xi32>
    %sign3A_32 = arith.extui %sign3A_31 : vector<128x128xi1> to vector<128x128xi32>
    %sign3A_33 = arith.constant 0 : i32
    %sign3A_34 = vector.broadcast %sign3A_33 : i32 to vector<128x128xi32>
    %sign3A_35 = arith.cmpi slt, %iota3A_25, %sign3A_34 : vector<128x128xi32>
    %sign3A_36 = arith.extui %sign3A_35 : vector<128x128xi1> to vector<128x128xi32>
    %sign3A_37 = arith.subi %sign3A_32, %sign3A_36 : vector<128x128xi32>
    %sign3A_38 = arith.constant 0 : i32
    %sign3A_39 = arith.cmpi sgt, %jit3A_26, %sign3A_38 : i32
    %sign3A_40 = arith.extui %sign3A_39 : i1 to i32
    %sign3A_41 = arith.constant 0 : i32
    %sign3A_42 = arith.cmpi slt, %jit3A_26, %sign3A_41 : i32
    %sign3A_43 = arith.extui %sign3A_42 : i1 to i32
    %sign3A_44 = arith.subi %sign3A_40, %sign3A_43 : i32
    %ne3A_45 = vector.broadcast %sign3A_44 : i32 to vector<128x128xi32>
    %ne3A_46 = arith.cmpi ne, %sign3A_37, %ne3A_45 : vector<128x128xi32>
    %rem3A_47 = vector.broadcast %jit3A_26 : i32 to vector<128x128xi32>
    %rem3A_48 = arith.remsi %iota3A_25, %rem3A_47 : vector<128x128xi32>
    %ne3A_49 = arith.constant 0 : i32
    %ne3A_50 = vector.broadcast %ne3A_49 : i32 to vector<128x128xi32>
    %ne3A_51 = arith.cmpi ne, %rem3A_48, %ne3A_50 : vector<128x128xi32>
    %and3A_52 = arith.andi %ne3A_46, %ne3A_51 : vector<128x128xi1>
    %sub3A_53 = arith.constant 1 : i32
    %sub3A_54 = vector.broadcast %sub3A_53 : i32 to vector<128x128xi32>
    %sub3A_55 = arith.subi %div3A_28, %sub3A_54 : vector<128x128xi32>
    %select_n3A_56 = arith.select %and3A_52, %sub3A_55, %div3A_28 : vector<128x128xi1>, vector<128x128xi32>
    %eq3A = arith.cmpi eq, %select_n3A, %select_n3A_56 : vector<128x128xi32>
    %convert_element_type3A = arith.extui %eq3A : vector<128x128xi1> to vector<128x128xi32>
    %convert_element_type3A_57 = arith.sitofp %convert_element_type3A : vector<128x128xi32> to vector<128x128xf32>
    %mul3A = arith.mulf %get3A_1, %get3A_1 : vector<1000x128xf32>
    %dot_general3A = arith.constant dense<0.000000e+00> : vector<1000x128xf32>
    %dot_general3A_58 = tpu.matmul %mul3A, %convert_element_type3A_57, %dot_general3A {dimension_numbers = #tpu.dot_dimension_numbers<[1], [0], [0], [1], [0, 0, 1, 1], [], []>, precision = #tpu.contract_precision<fp32>, transpose_lhs_hint = false} : vector<1000x128xf32>, vector<128x128xf32>, vector<1000x128xf32> -> vector<1000x128xf32>
    %sqrt3A = math.sqrt %dot_general3A_58 : vector<1000x128xf32>
    %max3A = arith.constant 1.000000e-07 : f32
    %max3A_59 = vector.broadcast %max3A : f32 to vector<1000x128xf32>
    %max3A_60 = arith.maximumf %sqrt3A, %max3A_59 : vector<1000x128xf32>
    %div3A_61 = arith.constant 2.000000e+00 : f32
    %div3A_62 = vector.broadcast %div3A_61 : f32 to vector<1000x128xf32>
    %div3A_63 = arith.divf %div3A_62, %max3A_60 : vector<1000x128xf32>
    %min3A = arith.constant 1.000000e+00 : f32
    %min3A_64 = vector.broadcast %min3A : f32 to vector<1000x128xf32>
    %min3A_65 = arith.minimumf %min3A_64, %div3A_63 : vector<1000x128xf32>
    %mul3A_66 = arith.mulf %get3A_1, %min3A_65 : vector<1000x128xf32>
    %swap3A = arith.constant 0 : index
    %swap3A_67 = arith.constant 0 : index
    %swap3A_68 = vector.load %arg2[%swap3A, %swap3A_67] : memref<1000x128xf32, #tpu.memory_space<vmem>>, vector<1000x128xf32>
    tpu.vector_store %arg2[%swap3A, %swap3A_67], %mul3A_66 {strides = array<i32>} : memref<1000x128xf32, #tpu.memory_space<vmem>>, vector<1000x128xf32>,
    return
  }
  func.func @transform_0(%arg0: i32) -> (i32, i32) {
    %c0_i32 = arith.constant 0 : i32
    %c0_i32_0 = arith.constant 0 : i32
    return %arg0, %c0_i32 : i32, i32
  }
  func.func @transform_1(%arg0: i32) -> (i32, i32) {
    %c0_i32 = arith.constant 0 : i32
    %c0_i32_0 = arith.constant 0 : i32
    return %arg0, %c0_i32 : i32, i32
  }
}

module attributes {stable_mosaic.version = 14 : i64} {
  func.func @_combine_body(%arg0: i32, %arg1: memref<1024x32xf32, #tpu.memory_space<vmem>>, %arg2: memref<1024x16xf32, #tpu.memory_space<vmem>>, %arg3: memref<1024x32xf32, #tpu.memory_space<vmem>>, %arg4: memref<1024x1xf32, #tpu.memory_space<vmem>>) attributes {dimension_semantics = [#tpu.dimension_semantics<arbitrary>], iteration_bounds = array<i64: 16>, scalar_prefetch = 0 : i64, scratch_operands = 0 : i64, tpu.core_type = #tpu.core_type<tc>, window_params = [{transform_indices = @transform_0, window_bounds = array<i64: 1024, 32>}, {transform_indices = @transform_1, window_bounds = array<i64: 1024, 16>}, {transform_indices = @transform_2, window_bounds = array<i64: 1024, 32>}, {transform_indices = @transform_3, window_bounds = array<i64: 1024, 1>}]} {
    %get3A = arith.constant 0 : index
    %get3A_0 = arith.constant 0 : index
    %get3A_1 = vector.load %arg1[%get3A, %get3A_0] : memref<1024x32xf32, #tpu.memory_space<vmem>>, vector<1024x32xf32>
    %get3A_2 = arith.constant 0 : index
    %get3A_3 = arith.constant 0 : index
    %get3A_4 = vector.load %arg2[%get3A_2, %get3A_3] : memref<1024x16xf32, #tpu.memory_space<vmem>>, vector<1024x16xf32>
    %get3A_5 = arith.constant 0 : index
    %get3A_6 = arith.constant 0 : index
    %get3A_7 = vector.load %arg3[%get3A_5, %get3A_6] : memref<1024x32xf32, #tpu.memory_space<vmem>>, vector<1024x32xf32>
    %mul3A = arith.mulf %get3A_7, %get3A_7 : vector<1024x32xf32>
    %reduce_sum3A = arith.constant dense<0.000000e+00> : vector<1024xf32>
    %reduce_sum3A_8 = vector.multi_reduction <add>, %mul3A, %reduce_sum3A [1] : vector<1024x32xf32> to vector<1024xf32>
    %broadcast_in_dim3A = vector.shape_cast %reduce_sum3A_8 : vector<1024xf32> to vector<1024x1xf32>
    %sqrt3A = math.sqrt %broadcast_in_dim3A : vector<1024x1xf32>
    %max3A = arith.constant 1.000000e-07 : f32
    %max3A_9 = vector.broadcast %max3A : f32 to vector<1024x1xf32>
    %max3A_10 = arith.maximumf %sqrt3A, %max3A_9 : vector<1024x1xf32>
    %div3A = arith.constant 2.000000e+00 : f32
    %div3A_11 = vector.broadcast %div3A : f32 to vector<1024x1xf32>
    %div3A_12 = arith.divf %div3A_11, %max3A_10 : vector<1024x1xf32>
    %min3A = arith.constant 1.000000e+00 : f32
    %min3A_13 = vector.broadcast %min3A : f32 to vector<1024x1xf32>
    %min3A_14 = arith.minimumf %min3A_13, %div3A_12 : vector<1024x1xf32>
    %mul3A_15 = vector.broadcast %min3A_14 : vector<1024x1xf32> to vector<1024x32xf32>
    %mul3A_16 = arith.mulf %get3A_7, %mul3A_15 : vector<1024x32xf32>
    %add3A = arith.addf %mul3A_16, %get3A_1 : vector<1024x32xf32>
    %mul3A_17 = arith.mulf %add3A, %add3A : vector<1024x32xf32>
    %reduce_sum3A_18 = arith.constant dense<0.000000e+00> : vector<1024xf32>
    %reduce_sum3A_19 = vector.multi_reduction <add>, %mul3A_17, %reduce_sum3A_18 [1] : vector<1024x32xf32> to vector<1024xf32>
    %broadcast_in_dim3A_20 = vector.shape_cast %reduce_sum3A_19 : vector<1024xf32> to vector<1024x1xf32>
    %mul3A_21 = arith.mulf %broadcast_in_dim3A, %min3A_14 : vector<1024x1xf32>
    %mul3A_22 = arith.mulf %mul3A_21, %min3A_14 : vector<1024x1xf32>
    %reduce_sum3A_23 = arith.constant dense<0.000000e+00> : vector<1024xf32>
    %reduce_sum3A_24 = vector.multi_reduction <add>, %get3A_4, %reduce_sum3A_23 [1] : vector<1024x16xf32> to vector<1024xf32>
    %broadcast_in_dim3A_25 = vector.shape_cast %reduce_sum3A_24 : vector<1024xf32> to vector<1024x1xf32>
    %add3A_26 = arith.addf %mul3A_22, %broadcast_in_dim3A_25 : vector<1024x1xf32>
    %sub3A = arith.subf %broadcast_in_dim3A_20, %add3A_26 : vector<1024x1xf32>
    %mul3A_27 = arith.constant 5.000000e-01 : f32
    %mul3A_28 = vector.broadcast %mul3A_27 : f32 to vector<1024x1xf32>
    %mul3A_29 = arith.mulf %mul3A_28, %sub3A : vector<1024x1xf32>
    %logistic3A = arith.negf %mul3A_29 : vector<1024x1xf32>
    %logistic3A_30 = math.exp %logistic3A : vector<1024x1xf32>
    %logistic3A_31 = arith.constant 1.000000e+00 : f32
    %logistic3A_32 = vector.broadcast %logistic3A_31 : f32 to vector<1024x1xf32>
    %logistic3A_33 = arith.addf %logistic3A_32, %logistic3A_30 : vector<1024x1xf32>
    %logistic3A_34 = arith.divf %logistic3A_32, %logistic3A_33 : vector<1024x1xf32>
    %swap3A = arith.constant 0 : index
    %swap3A_35 = arith.constant 0 : index
    %swap3A_36 = vector.load %arg4[%swap3A, %swap3A_35] : memref<1024x1xf32, #tpu.memory_space<vmem>>, vector<1024x1xf32>
    tpu.vector_store %arg4[%swap3A, %swap3A_35], %logistic3A_34 {strides = array<i32>} : memref<1024x1xf32, #tpu.memory_space<vmem>>, vector<1024x1xf32>,
    return
  }
  func.func @transform_0(%arg0: i32) -> (i32, i32) {
    %c0_i32 = arith.constant 0 : i32
    %c0_i32_0 = arith.constant 0 : i32
    return %arg0, %c0_i32 : i32, i32
  }
  func.func @transform_1(%arg0: i32) -> (i32, i32) {
    %c0_i32 = arith.constant 0 : i32
    %c0_i32_0 = arith.constant 0 : i32
    return %arg0, %c0_i32 : i32, i32
  }
  func.func @transform_2(%arg0: i32) -> (i32, i32) {
    %c0_i32 = arith.constant 0 : i32
    %c0_i32_0 = arith.constant 0 : i32
    return %arg0, %c0_i32 : i32, i32
  }
  func.func @transform_3(%arg0: i32) -> (i32, i32) {
    %c0_i32 = arith.constant 0 : i32
    %c0_i32_0 = arith.constant 0 : i32
    return %arg0, %c0_i32 : i32, i32
  }
}

</mosaic_0001>

<sc_bundles>
// kernel: kernel.6.cloned.1.call-start
scs
__scs_entry_jumppad:
0x0: {  	(pc) =	sbr.rel $0x88, $3  }
0x1: {  	(tag) =	ssettag $0x0;
	lr =	simm.s32 $0x1  }
0x2: {  	[smem:$0x3F9D] =	sst lr;
	_ =	strace $0xD0000000  }
0x3: {  	_ = 	snop  }
0x4: {  	_ = 	snop  }
0x5: {  	_ = 	snop  }
0x6: {  	_ = 	snop  }
0x7: {  	_ = 	snop  }
__scs_overlays_trampoline_lowered:
0x8: {  	[smem:$0x3FAC] =	sst s0  }
0x9: {  	[smem:$0x3FAD] =	sst s1  }
0xa: {  	[smem:$0x3FAE] =	sst s2  }
0xb: {  	[smem:$0x3FAF] =	sst s3  }
0xc: {  	[smem:$0x3FB0] =	sst s4  }
0xd: {  	[smem:$0x3FB1] =	sst s5  }
0xe: {  	[smem:$0x3FB2] =	sst s6  }
0xf: {  	[smem:$0x3FB3] =	sst s7  }
0x10: {  	[smem:$0x3FB4] =	sst s8  }
0x11: {  	[smem:$0x3FB5] =	sst s9;
	s0 =	simm.s32 @!p0 $0x0  }
0x12: {  	s1 =	sld [smem:$0x3F9B];
	s0 =	simm.s32 @p0 $0x1  }
0x13: {  	[smem:$0x3FB6] =	sst s0;
	s0 =	simm.s32 @!p1 $0x0  }
0x14: {  	s2 =	sld [smem:$0x3F9A];
	s0 =	simm.s32 @p1 $0x1  }
0x15: {  	[smem:$0x3FB7] =	sst s0;
	s0 =	simm.s32 @!p2 $0x0  }
0x16: {  	s3 =	sld [smem:$0x3FDB];
	s0 =	simm.s32 @p2 $0x1  }
0x17: {  	s4 =	simm.s32 $0x1BF5;
	[smem:$0x3FB9] =	sst s0  }
0x18: {  	s0 =	sld [smem:$0x3F9C];
	_ =	swait.ge [sflag:s4], $0x0  }
0x19: {  	s7 =	sld [smem:$0x3F9D]  }
0x1a: {  	s8 =	sadd.s32 $0xFFFFE003, lr  }
0x1b: {  	s9 =	sadd.s32 $0xFFFFFEF7, lr;
	s5 =	simm.s32 $0xFFFFFFFF;
	p2 =	slt.u32 s8, $0xFFFFF086  }
0x1c: {  	p1 =	slt.u32 s9, $0xF7A;
	s5 =	simm.s32 @!p2 $0x0  }
0x1d: {  	s5 =	simm.s32 @p1 $0x1;
	p0 =	seq.s32 s7, s2  }
0x1e: {  	s7 =	smul.u32 @!p0 $0xF7A, s2;
	p2 =	seq.s32 @!p0 s5, $0x0  }
0x1f: {  	s9 =	smul.u32 $0xF7A, s1;
	s8 =	simm.s32 @!p0 $0x1BF5;
	p2 =	por !p2, p0  }
0x20: {  	[sflag:s8] =	ssyncset.s32 @!p0 $0xFFFFF086;
	s6 =	sadd.s32 @!p0 s3, s7;
	s7 =	simm.s32 @!p0 $0x108  }
0x21: {  	s3 =	sadd.s32 s3, s9;
	s6 =	sadd.s32 @!p0 $0x88, s6;
	s7 =	simm.s32 @p2 $0x1082  }
0x22: {  	[simem:s7], [sflag:s8] =	dma.local @!p0 [hbm:s6], $0xF7A  }
0x23: {  	s9 =	sor.u32 $0xD0000000, s2;
	s6 =	simm.s32 $0x108;
	_ =	swait.ge @!p0 [sflag:s8], $0x0  }
0x24: {  	s3 =	sadd.s32 $0x88, s3;
	s6 =	simm.s32 @!p1 $0x1082;
	[sflag:s4] =	ssyncset.s32 $0xFFFFF086  }
0x25: {  	[simem:s6], [sflag:s4] =	dma.local [hbm:s3], $0xF7A  }
0x26: {  	[smem:$0x3F9D] =	sst s1;
	(tag) =	ssettag s2;
	_ =	strace s9  }
0x27: {  	s1 =	sld [smem:$0x3FAD]  }
0x28: {  	s2 =	sld [smem:$0x3FAE]  }
0x29: {  	s4 =	sld [smem:$0x3FB0]  }
0x2a: {  	p0 =	seq.s32 s5, $0x0;
	s5 =	sld [smem:$0x3FB1]  }
0x2b: {  	s6 =	sld [smem:$0x3FB2]  }
0x2c: {  	s7 =	sld [smem:$0x3FB3]  }
0x2d: {  	s3 =	simm.s32 $0x108;
	s8 =	sld [smem:$0x3FB4]  }
0x2e: {  	s3 =	simm.s32 @!p0 $0x1082;
	s9 =	sld [smem:$0x3FB5]  }
0x2f: {  	lr =	sadd.s32 s0, s3;
	s0 =	sld [smem:$0x3FAC]  }
0x30: {  	s3 =	sld [smem:$0x3FAF]  }
0x31: {  	[smem:$0x3FB8] =	sst s10  }
0x32: {  	s10 =	sld [smem:$0x3FB6];
	_ =	sdelay $0x3  }
0x33: {  	p0 =	seq.s32 s10, $0x1;
	s10 =	sld [smem:$0x3FB8];
	_ =	sdelay $0x3  }
0x34: {  	[smem:$0x3FB8] =	sst s10  }
0x35: {  	s10 =	sld [smem:$0x3FB7];
	_ =	sdelay $0x3  }
0x36: {  	p1 =	seq.s32 s10, $0x1;
	s10 =	sld [smem:$0x3FB8];
	_ =	sdelay $0x3  }
0x37: {  	[smem:$0x3FB8] =	sst s10  }
0x38: {  	s10 =	sld [smem:$0x3FB9]  }
0x39: {  	_ = 	snop;
	(pc) =	sbr.ind lr, $3  }
0x3a: {  	_ = 	snop  }
0x3b: {  	_ = 	snop  }
0x3c: {  	p2 =	seq.s32 s10, $0x1;
	s10 =	sld [smem:$0x3FB8]  }
0x3d: {  	_ =	shalt  }
0x3e: {  	_ =	shalt  }
0x3f: {  	_ =	shalt  }
0x40: {  	_ =	shalt  }
0x41: {  	_ =	shalt  }
0x42: {  	_ =	shalt  }
0x43: {  	_ =	shalt  }
0x44: {  	_ =	shalt  }
0x45: {  	_ =	shalt  }
0x46: {  	_ =	shalt  }
0x47: {  	_ =	shalt  }
0x48: {  	_ =	shalt  }
0x49: {  	_ =	shalt  }
0x4a: {  	_ =	shalt  }
0x4b: {  	_ =	shalt  }
0x4c: {  	_ =	shalt  }
0x4d: {  	_ =	shalt  }
0x4e: {  	_ =	shalt  }
0x4f: {  	_ =	shalt  }
0x50: {  	_ =	shalt  }
0x51: {  	_ =	shalt  }
0x52: {  	_ =	shalt  }
0x53: {  	_ =	shalt  }
0x54: {  	_ =	shalt  }
0x55: {  	_ =	shalt  }
0x56: {  	_ =	shalt  }
0x57: {  	_ =	shalt  }
0x58: {  	_ =	shalt  }
0x59: {  	_ =	shalt  }
0x5a: {  	_ =	shalt  }
0x5b: {  	_ =	shalt  }
0x5c: {  	_ =	shalt  }
0x5d: {  	_ =	shalt  }
0x5e: {  	_ =	shalt  }
0x5f: {  	_ =	shalt  }
0x60: {  	_ =	shalt  }
0x61: {  	_ =	shalt  }
0x62: {  	_ =	shalt  }
0x63: {  	_ =	shalt  }
0x64: {  	_ =	shalt  }
0x65: {  	_ =	shalt  }
0x66: {  	_ =	shalt  }
0x67: {  	_ =	shalt  }
0x68: {  	_ =	shalt  }
0x69: {  	_ =	shalt  }
0x6a: {  	_ =	shalt  }
0x6b: {  	_ =	shalt  }
0x6c: {  	_ =	shalt  }
0x6d: {  	_ =	shalt  }
0x6e: {  	_ =	shalt  }
0x6f: {  	_ =	shalt  }
0x70: {  	_ =	shalt  }
0x71: {  	_ =	shalt  }
0x72: {  	_ =	shalt  }
0x73: {  	_ =	shalt  }
0x74: {  	_ =	shalt  }
0x75: {  	_ =	shalt  }
0x76: {  	_ =	shalt  }
0x77: {  	_ =	shalt  }
0x78: {  	_ =	shalt  }
0x79: {  	_ =	shalt  }
0x7a: {  	_ =	shalt  }
0x7b: {  	_ =	shalt  }
0x7c: {  	_ =	shalt  }
0x7d: {  	_ =	shalt  }
0x7e: {  	_ =	shalt  }
0x7f: {  	_ =	shalt  }
0x80: {  	_ =	shalt  }
0x81: {  	_ =	shalt  }
0x82: {  	_ =	shalt  }
0x83: {  	_ =	shalt  }
0x84: {  	_ =	shalt  }
0x85: {  	_ =	shalt  }
0x86: {  	_ =	shalt  }
0x87: {  	_ =	shalt  }
.Lfunc_end0:
.L_simem_size_0:
called_computation_lowered:
.L_overlay_start_0:
0x88: {  	s2 =	sld [smem:$0x3FD9]  }
0x89: {  	s3 =	sld [smem:$0x3FFE];
	_ =	sdelay $0x1  }
0x8a: {  	s1 =	srdreg.scid  }
0x8b: {  	s0 =	sand.u32 $0x1, s1  }
0x8c: {  	s17 =	sshll.u32 s0, $0xA;
	s2 =	sadd.s32 s3, s2  }
0x8d: {  	s2 =	sadd.s32 s2, s17  }
0x8e: {  	[smem:$0x3FC4] =	sst s2  }
0x8f: {  	_ = 	snop  }
0x90: {  	s18 =	sld [smem:$0x3FC9];
	(tm) =	ssettm $0x1  }
0x91: {  	s19 =	sld [smem:$0x3FFB];
	_ =	sdelay $0x3  }
0x92: {  	_ =	strace s19  }
0x93: {  	s2 =	sld [smem:$0x3FFC];
	_ =	sdelay $0x3  }
0x94: {  	_ =	strace s2  }
0x95: {  	s2 =	sld [smem:$0x3FFD];
	_ =	sdelay $0x3  }
0x96: {  	_ =	strace s2  }
0x97: {  	_ =	strace $0x8FFFFFFF  }
0x98: {  	s20 =	sld [smem:$0x3FDB];
	_ =	sdelay $0x1  }
0x99: {  	s4 =	simm.s32 $_scs_section_size  }
0x9a: {  	s5 =	simm.s32 $_size__tile_overlayer_lowered;
	s6 =	simm.s32 $_tile_overlayer_lowered  }
0x9b: {  	s7 =	simm.s32 $0x1BFF;
	s21 =	sshll.u32 s6, $0x1;
	s4 =	sadd.s32 s4, s20  }
0x9c: {  	s22 =	simm.s32 $0x0;
	s5 =	sshll.u32 s5, $0x1;
	s6 =	sadd.s32 s21, s4  }
0x9d: {  	[timem:s22], [sflag:s7] =	dma.local [hbm:s6], s5  }
0x9e: {  	_ =	swait.ge [sflag:s7], s5  }
0x9f: {  	s5 =	ssub.s32 $0x0, s5;
	[sflag:s7] =	ssyncset.done $0x0  }
0xa0: {  	[sflag:s7] =	ssyncadd.s32 s5;
	_ =	sdelay $0x1  }
0xa1: {  	s23 =	simm.s32 $0x1B8B  }
0xa2: {  	_ =	swait.ge [sflag:s23], $0x1  }
0xa3: {  	[sflag:s23] =	ssyncset.done $0x0  }
0xa4: {  	[sflag:s23] =	ssyncadd.s32 $0xFFFFFFFF  }
0xa5: {  	s5 =	sld [smem:$0x0]  }
0xa6: {  	s6 =	sand.u32 $0xFFFFFFFE, s1  }
0xa7: {  	p0 =	sne.s32 s1, s6  }
0xa8: {  	s6 =	sshll.u32 @p0 s6, $0xE  }
0xa9: {  	s6 =	sadd.s32 @p0 $0x11B8D, s6;
	s7 =	sshll.u32 @p0 s5, $0x11  }
0xaa: {  	s6 =	sor.u32 @p0 s7, s6  }
0xab: {  	[sflag:s6] =	ssyncadd.remote.s32 @p0 $0x1;
	_ =	sdelay $0x1  }
0xac: {  	s6 =	simm.s32 @p0 $0x1B8D  }
0xad: {  	_ =	swait.eq @p0 [sflag:s6], $0x1  }
0xae: {  	[sflag:s6] =	ssyncadd.s32 @p0 $0xFFFFFFFF  }
0xaf: {  	s7 =	sshll.u32 @!p0 s1, $0xE  }
0xb0: {  	s7 =	sor.u32 @!p0 $0x4000, s7;
	s6 =	simm.s32 @!p0 $0x1B8D  }
0xb1: {  	s5 =	sshll.u32 @!p0 s5, $0x11;
	s7 =	sadd.s32 @!p0 $0x11B8D, s7;
	_ =	swait.eq @!p0 [sflag:s6], $0x1  }
0xb2: {  	s5 =	sor.u32 @!p0 s5, s7;
	[sflag:s6] =	ssyncadd.s32 @!p0 $0xFFFFFFFF  }
0xb3: {  	s25 =	simm.s32 $0x1B8E;
	s24 =	sld [smem:$0x3FFE];
	[sflag:s5] =	ssyncadd.remote.s32 @!p0 $0x1  }
0xb4: {  	s26 =	simm.s32 $execute0_lowered;
	[smem:$0x3FD2] =	sst s25  }
0xb5: {  	s6 =	sshll.u32 s26, $0x1;
	_ =	strace $0x80000049;
	[dreg:$0x1] =	wrdreg $0xFFFFFFFF  }
0xb6: {  	s28 =	simm.s32 $_size_execute0_lowered;
	s4 =	sadd.s32 s4, s6;
	[dreg:$0x0] =	wrdreg $0x0  }
0xb7: {  	s6 =	sshll.u32 s28, $0x1;
	[dreg:$0x2] =	wrdreg s4  }
0xb8: {  	[dreg:$0x3] =	wrdreg s6  }
0xb9: {  	[dreg:$0x4] =	wrdreg $0xC0  }
0xba: {  	_ =	task [dreg:s22], $0x5FFFF  }
0xbb: {  	[dreg:$0x1] =	wrdreg $0xFFFFFFFF  }
0xbc: {  	[dreg:$0x0] =	wrdreg $0x60  }
0xbd: {  	[dreg:$0x2] =	wrdreg s24  }
0xbe: {  	[dreg:$0x3] =	wrdreg s18  }
0xbf: {  	[dreg:$0x4] =	wrdreg $0x9  }
0xc0: {  	_ =	task.clear_ibuf [dreg:s22], $0x5FFFF;
	_ =	strace $0x90000049  }
0xc1: {  	s29 =	simm.s32 $0x9;
	_ =	strace $0x8000004B  }
0xc2: {  	_ =	swait.ge [sflag:s29], $0x1  }
0xc3: {  	[sflag:s29] =	ssyncadd.s32 $0xFFFFFFFF  }
0xc4: {  	_ =	strace $0x9000004B  }
0xc5: {  	_ =	sfence  }
0xc6: {  	s30 =	sld [smem:$0x0];
	_ =	sdelay $0x2  }
0xc7: {  	s31 =	sshll.u32 s1, $0xD;
	s1 =	sshrl.u32 s1, $0x2  }
0xc8: {  	s4 =	sand.u32 $0x4000, s31;
	s1 =	sadd.s32 s1, s30  }
0xc9: {  	s0 =	sor.u32 s4, s0;
	s1 =	sshll.u32 s1, $0x11  }
0xca: {  	s0 =	sor.u32 s1, s0  }
0xcb: {  	s0 =	sadd.s32 $0x8F2B, s0  }
0xcc: {  	[sflag:s0] =	ssyncadd.remote.s32 $0x1  }
0xcd: {  	_ =	sfence.sel $0xFFFF  }
0xce: {  	[dreg:$0x0] =	wrdreg $0xFFFFFFFF;
	(pc) =	sbr.abs _section_cstart, $3  }
0xcf: {  	[dreg:$0x1] =	wrdreg $0xFFFFFFFF  }
0xd0: {  	_ =	task.clear_ibuf [dreg:s22], $0x2FFFF;
	_ =	strace $0x9FFFFFFF  }
0xd1: {  	(tm) =	ssettm $0x7FFFFFFF  }
tec
execute0_lowered:
.L_overlay_start_1:
0x0: {  	(tag) =	ssettag $0x1  }
0x1: {  	s14 =	rddreg [dreg:$0x0]  }
0x2: {  	s1 =	srdreg.scid;
	s0 =	stileid.u32  }
0x3: {  	s3 =	rddreg [dreg:$0x1];
	s15 =	sand.u32 $0x1, s1;
	s4 =	sshll.u32 s0, $0x1  }
0x4: {  	s2 =	simm.s32 $0x0;
	s1 =	rddreg [dreg:$0x2];
	s16 =	sor.u32 s15, s4  }
0x5: {  	[smem:$0x7FF] =	sst s2;
	s4 =	sshll.u32 s16, $0x6  }
0x6: {  	_ =	strace $0x8000004A;
	s4 =	sadd.s32 s3, s4;
	s3 =	simm.s32 $0x2  }
0x7: {  	[tilespmem:s2], [sflag:$0x2] =	stream.linear.gather [hbm4b:s4+s2], $0x200, $0x38;
	[tilespmem:$0x4200] =	vst v63  }
0x8: {  	_ =	swait.ge [sflag:s3], $0x200  }
0x9: {  	s6 =	simm.s32 $0x80;
	[sflag:s3] =	ssyncset.done $0x0  }
0xa: {  	s7 =	simm.s32 $0x200;
	s5 =	sadd.s32 $0xFD7C00, s14;
	[sflag:s3] =	ssyncadd.s32 $0xFFFFFE00  }
0xb: {  	[tilespmem:s7], [sflag:$0x1] =	stream.indirect.gather [hbm4b:s5+s6], $0x20, s2, s6, $0xb8;
	[tilespmem:$0x4200] =	vst v63  }
0xc: {  	s8 =	simm.s32 $0x1200  }
0xd: {  	[tilespmem:s8], [sflag:$0x1] =	stream.indirect.gather [hbm4b:s5+s6], $0x20, s6, s6, $0xb8;
	[tilespmem:$0x4200] =	vst v63  }
0xe: {  	s9 =	simm.s32 $0x100;
	s10 =	simm.s32 $0x2200  }
0xf: {  	[tilespmem:s10], [sflag:$0x1] =	stream.indirect.gather [hbm4b:s5+s6], $0x20, s9, s6, $0xb8;
	[tilespmem:$0x4200] =	vst v63  }
0x10: {  	s11 =	simm.s32 $0x180;
	s12 =	simm.s32 $0x3200;
	s13 =	simm.s32 $0x1  }
0x11: {  	[tilespmem:s12], [sflag:$0x1] =	stream.indirect.gather [hbm4b:s5+s6], $0x20, s11, s6, $0xb8;
	[tilespmem:$0x4200] =	vst v63  }
0x12: {  	_ =	swait.ge [sflag:s13], $0x1000  }
0x13: {  	[sflag:s13] =	ssyncset.done $0x0  }
0x14: {  	[sflag:s13] =	ssyncadd.s32 $0xFFFFF000  }
0x15: {  	_ =	swait.ge [sflag:s13], $0x1000  }
0x16: {  	[sflag:s13] =	ssyncset.done $0x0  }
0x17: {  	s15 =	ssub.s32 $0x2, s15;
	[sflag:s13] =	ssyncadd.s32 $0xFFFFF000  }
0x18: {  	s17 =	sshrl.u32 s15, $0x1;
	_ =	swait.ge [sflag:s13], $0x1000  }
0x19: {  	s15 =	ssub.s32 s15, s17;
	[sflag:s13] =	ssyncset.done $0x0  }
0x1a: {  	s15 =	smax.u32 s15, $0x1;
	[sflag:s13] =	ssyncadd.s32 $0xFFFFF000  }
0x1b: {  	s16 =	sshll.u32 s16, $0xB;
	p0 =	sne.s32 s15, $0x1;
	_ =	swait.ge [sflag:s13], $0x1000  }
.Ltmp0:
0x1c: {  	s14 =	sadd.s32 s16, s14;
	[sflag:s13] =	ssyncset.done $0x0;
	(pc) =	sbr.rel @!p0 .LBB2_2-.Ltmp0, $4  }
0x1d: {  	s14 =	sadd.s32 $0x95800, s14;
	[sflag:s13] =	ssyncadd.s32 $0xFFFFF000  }
0x1e: {  	[hbm4b:s14+s2] =	stream.linear.scatter [tilespmem:s7], [sflag:$0x2], $0x4000, $0x38;
	[tilespmem:$0x4200] =	vst v63  }
0x1f: {  	_ =	swait.ge [sflag:s3], $0x4000  }
0x20: {  	s15 =	sadd.s32 $0xFFFFFFFF, s15;
	[sflag:s3] =	ssyncset.done $0x0  }
.LBB2_1:
0x21: {  	p0 =	sne.s32 s15, $0x1;
	s15 =	sadd.s32 $0xFFFFFFFF, s15;
	[sflag:s3] =	ssyncadd.s32 $0xFFFFC000  }
0x22: {  	[tilespmem:s2], [sflag:$0x2] =	stream.linear.gather [hbm4b:s4+s2], $0x200, $0x38;
	[tilespmem:$0x4200] =	vst v63  }
0x23: {  	_ =	swait.ge [sflag:s3], $0x200  }
0x24: {  	[sflag:s3] =	ssyncset.done $0x0  }
0x25: {  	[sflag:s3] =	ssyncadd.s32 $0xFFFFFE00  }
0x26: {  	[tilespmem:s7], [sflag:$0x1] =	stream.indirect.gather [hbm4b:s5+s6], $0x20, s2, s6, $0xb8;
	[tilespmem:$0x4200] =	vst v63  }
0x27: {  	_ = 	snop  }
0x28: {  	[tilespmem:s8], [sflag:$0x1] =	stream.indirect.gather [hbm4b:s5+s6], $0x20, s6, s6, $0xb8;
	[tilespmem:$0x4200] =	vst v63  }
0x29: {  	_ = 	snop  }
0x2a: {  	[tilespmem:s10], [sflag:$0x1] =	stream.indirect.gather [hbm4b:s5+s6], $0x20, s9, s6, $0xb8;
	[tilespmem:$0x4200] =	vst v63  }
0x2b: {  	_ = 	snop  }
0x2c: {  	[tilespmem:s12], [sflag:$0x1] =	stream.indirect.gather [hbm4b:s5+s6], $0x20, s11, s6, $0xb8;
	[tilespmem:$0x4200] =	vst v63  }
0x2d: {  	_ =	swait.ge [sflag:s13], $0x1000  }
0x2e: {  	[sflag:s13] =	ssyncset.done $0x0  }
0x2f: {  	[sflag:s13] =	ssyncadd.s32 $0xFFFFF000  }
0x30: {  	_ =	swait.ge [sflag:s13], $0x1000  }
0x31: {  	[sflag:s13] =	ssyncset.done $0x0  }
0x32: {  	[sflag:s13] =	ssyncadd.s32 $0xFFFFF000  }
0x33: {  	_ =	swait.ge [sflag:s13], $0x1000  }
0x34: {  	[sflag:s13] =	ssyncset.done $0x0  }
0x35: {  	[sflag:s13] =	ssyncadd.s32 $0xFFFFF000  }
0x36: {  	_ =	swait.ge [sflag:s13], $0x1000  }
.Ltmp1:
0x37: {  	[sflag:s13] =	ssyncset.done $0x0;
	(pc) =	sbr.rel @p0 .LBB2_1-.Ltmp1, $4  }
0x38: {  	[sflag:s13] =	ssyncadd.s32 $0xFFFFF000  }
0x39: {  	[hbm4b:s14+s2] =	stream.linear.scatter [tilespmem:s7], [sflag:$0x2], $0x4000, $0x38;
	[tilespmem:$0x4200] =	vst v63  }
0x3a: {  	_ =	swait.ge [sflag:s3], $0x4000  }
0x3b: {  	[sflag:s3] =	ssyncset.done $0x0  }
.LBB2_2:
0x3c: {  	[sflag:s3] =	ssyncadd.s32 $0xFFFFC000  }
0x3d: {  	_ =	sfence.sel $0x180000  }
0x3e: {  	[bflag:$0x0] =	sbarrier.arrive $0xFFFF  }
0x3f: {  	p0 =	sne.s32 s0, $0x0;
	_ =	strace $0x9000004A  }
0x40: {  	s0 =	sadd.s32 @!p0 $0x100000, s1;
	[bflag:$0x2] =	sbarrier.arrive $0xFFFF  }
0x41: {  	[sflag:s0] =	ssyncadd.tile.s32 @!p0 $0x1;
	_ =	shalt  }
.Lfunc_end2:
_tile_overlayer_lowered:
.L_overlay_start_2:
0x42: {  	(tag) =	ssettag $0x2  }
0x43: {  	s0 =	rddreg [dreg:$0x0];
	s2 =	stileid.u32  }
0x44: {  	s1 =	rddreg [dreg:$0x1];
	p0 =	sne.s32 s2, $0x0  }
0x45: {  	s3 =	rddreg [dreg:$0x2];
	[bflag:$0x3] =	sbarrier.arrive $0xFFFF;
	s2 =	simm.s32 @!p0 $0x1C02  }
0x46: {  	[timem:s3], [sflag:s2] =	dma.local @!p0 [hbm:s0], s1  }
0x47: {  	s0 =	simm.s32 @!p0 $0x2  }
0x48: {  	_ =	swait.ge @!p0 [sflag:s0], s1  }
0x49: {  	s1 =	ssub.s32 @!p0 $0x0, s1;
	[sflag:s0] =	ssyncset.done @!p0 $0x0  }
0x4a: {  	[sflag:s0] =	ssyncadd.s32 @!p0 s1  }
0x4b: {  	[bflag:$0x3] =	sbarrier.arrive $0xFFFF  }
0x4c: {  	_ =	shalt  }

// kernel: kernel.9.cloned.1.call-start
scs
__scs_entry_jumppad:
0x0: {  	(pc) =	sbr.rel $0x88, $3  }
0x1: {  	(tag) =	ssettag $0x0;
	lr =	simm.s32 $0x1  }
0x2: {  	[smem:$0x3F9D] =	sst lr;
	_ =	strace $0xD0000000  }
0x3: {  	_ = 	snop  }
0x4: {  	_ = 	snop  }
0x5: {  	_ = 	snop  }
0x6: {  	_ = 	snop  }
0x7: {  	_ = 	snop  }
__scs_overlays_trampoline_lowered:
0x8: {  	[smem:$0x3FAC] =	sst s0  }
0x9: {  	[smem:$0x3FAD] =	sst s1  }
0xa: {  	[smem:$0x3FAE] =	sst s2  }
0xb: {  	[smem:$0x3FAF] =	sst s3  }
0xc: {  	[smem:$0x3FB0] =	sst s4  }
0xd: {  	[smem:$0x3FB1] =	sst s5  }
0xe: {  	[smem:$0x3FB2] =	sst s6  }
0xf: {  	[smem:$0x3FB3] =	sst s7  }
0x10: {  	[smem:$0x3FB4] =	sst s8  }
0x11: {  	[smem:$0x3FB5] =	sst s9;
	s0 =	simm.s32 @!p0 $0x0  }
0x12: {  	s1 =	sld [smem:$0x3F9B];
	s0 =	simm.s32 @p0 $0x1  }
0x13: {  	[smem:$0x3FB6] =	sst s0;
	s0 =	simm.s32 @!p1 $0x0  }
0x14: {  	s2 =	sld [smem:$0x3F9A];
	s0 =	simm.s32 @p1 $0x1  }
0x15: {  	[smem:$0x3FB7] =	sst s0;
	s0 =	simm.s32 @!p2 $0x0  }
0x16: {  	s3 =	sld [smem:$0x3FDB];
	s0 =	simm.s32 @p2 $0x1  }
0x17: {  	s4 =	simm.s32 $0x1BF5;
	[smem:$0x3FB9] =	sst s0  }
0x18: {  	s0 =	sld [smem:$0x3F9C];
	_ =	swait.ge [sflag:s4], $0x0  }
0x19: {  	s7 =	sld [smem:$0x3F9D]  }
0x1a: {  	s8 =	sadd.s32 $0xFFFFE003, lr  }
0x1b: {  	s9 =	sadd.s32 $0xFFFFFEF7, lr;
	s5 =	simm.s32 $0xFFFFFFFF;
	p2 =	slt.u32 s8, $0xFFFFF086  }
0x1c: {  	p1 =	slt.u32 s9, $0xF7A;
	s5 =	simm.s32 @!p2 $0x0  }
0x1d: {  	s5 =	simm.s32 @p1 $0x1;
	p0 =	seq.s32 s7, s2  }
0x1e: {  	s7 =	smul.u32 @!p0 $0xF7A, s2;
	p2 =	seq.s32 @!p0 s5, $0x0  }
0x1f: {  	s9 =	smul.u32 $0xF7A, s1;
	s8 =	simm.s32 @!p0 $0x1BF5;
	p2 =	por !p2, p0  }
0x20: {  	[sflag:s8] =	ssyncset.s32 @!p0 $0xFFFFF086;
	s6 =	sadd.s32 @!p0 s3, s7;
	s7 =	simm.s32 @!p0 $0x108  }
0x21: {  	s3 =	sadd.s32 s3, s9;
	s6 =	sadd.s32 @!p0 $0x88, s6;
	s7 =	simm.s32 @p2 $0x1082  }
0x22: {  	[simem:s7], [sflag:s8] =	dma.local @!p0 [hbm:s6], $0xF7A  }
0x23: {  	s9 =	sor.u32 $0xD0000000, s2;
	s6 =	simm.s32 $0x108;
	_ =	swait.ge @!p0 [sflag:s8], $0x0  }
0x24: {  	s3 =	sadd.s32 $0x88, s3;
	s6 =	simm.s32 @!p1 $0x1082;
	[sflag:s4] =	ssyncset.s32 $0xFFFFF086  }
0x25: {  	[simem:s6], [sflag:s4] =	dma.local [hbm:s3], $0xF7A  }
0x26: {  	[smem:$0x3F9D] =	sst s1;
	(tag) =	ssettag s2;
	_ =	strace s9  }
0x27: {  	s1 =	sld [smem:$0x3FAD]  }
0x28: {  	s2 =	sld [smem:$0x3FAE]  }
0x29: {  	s4 =	sld [smem:$0x3FB0]  }
0x2a: {  	p0 =	seq.s32 s5, $0x0;
	s5 =	sld [smem:$0x3FB1]  }
0x2b: {  	s6 =	sld [smem:$0x3FB2]  }
0x2c: {  	s7 =	sld [smem:$0x3FB3]  }
0x2d: {  	s3 =	simm.s32 $0x108;
	s8 =	sld [smem:$0x3FB4]  }
0x2e: {  	s3 =	simm.s32 @!p0 $0x1082;
	s9 =	sld [smem:$0x3FB5]  }
0x2f: {  	lr =	sadd.s32 s0, s3;
	s0 =	sld [smem:$0x3FAC]  }
0x30: {  	s3 =	sld [smem:$0x3FAF]  }
0x31: {  	[smem:$0x3FB8] =	sst s10  }
0x32: {  	s10 =	sld [smem:$0x3FB6];
	_ =	sdelay $0x3  }
0x33: {  	p0 =	seq.s32 s10, $0x1;
	s10 =	sld [smem:$0x3FB8];
	_ =	sdelay $0x3  }
0x34: {  	[smem:$0x3FB8] =	sst s10  }
0x35: {  	s10 =	sld [smem:$0x3FB7];
	_ =	sdelay $0x3  }
0x36: {  	p1 =	seq.s32 s10, $0x1;
	s10 =	sld [smem:$0x3FB8];
	_ =	sdelay $0x3  }
0x37: {  	[smem:$0x3FB8] =	sst s10  }
0x38: {  	s10 =	sld [smem:$0x3FB9]  }
0x39: {  	_ = 	snop;
	(pc) =	sbr.ind lr, $3  }
0x3a: {  	_ = 	snop  }
0x3b: {  	_ = 	snop  }
0x3c: {  	p2 =	seq.s32 s10, $0x1;
	s10 =	sld [smem:$0x3FB8]  }
0x3d: {  	_ =	shalt  }
0x3e: {  	_ =	shalt  }
0x3f: {  	_ =	shalt  }
0x40: {  	_ =	shalt  }
0x41: {  	_ =	shalt  }
0x42: {  	_ =	shalt  }
0x43: {  	_ =	shalt  }
0x44: {  	_ =	shalt  }
0x45: {  	_ =	shalt  }
0x46: {  	_ =	shalt  }
0x47: {  	_ =	shalt  }
0x48: {  	_ =	shalt  }
0x49: {  	_ =	shalt  }
0x4a: {  	_ =	shalt  }
0x4b: {  	_ =	shalt  }
0x4c: {  	_ =	shalt  }
0x4d: {  	_ =	shalt  }
0x4e: {  	_ =	shalt  }
0x4f: {  	_ =	shalt  }
0x50: {  	_ =	shalt  }
0x51: {  	_ =	shalt  }
0x52: {  	_ =	shalt  }
0x53: {  	_ =	shalt  }
0x54: {  	_ =	shalt  }
0x55: {  	_ =	shalt  }
0x56: {  	_ =	shalt  }
0x57: {  	_ =	shalt  }
0x58: {  	_ =	shalt  }
0x59: {  	_ =	shalt  }
0x5a: {  	_ =	shalt  }
0x5b: {  	_ =	shalt  }
0x5c: {  	_ =	shalt  }
0x5d: {  	_ =	shalt  }
0x5e: {  	_ =	shalt  }
0x5f: {  	_ =	shalt  }
0x60: {  	_ =	shalt  }
0x61: {  	_ =	shalt  }
0x62: {  	_ =	shalt  }
0x63: {  	_ =	shalt  }
0x64: {  	_ =	shalt  }
0x65: {  	_ =	shalt  }
0x66: {  	_ =	shalt  }
0x67: {  	_ =	shalt  }
0x68: {  	_ =	shalt  }
0x69: {  	_ =	shalt  }
0x6a: {  	_ =	shalt  }
0x6b: {  	_ =	shalt  }
0x6c: {  	_ =	shalt  }
0x6d: {  	_ =	shalt  }
0x6e: {  	_ =	shalt  }
0x6f: {  	_ =	shalt  }
0x70: {  	_ =	shalt  }
0x71: {  	_ =	shalt  }
0x72: {  	_ =	shalt  }
0x73: {  	_ =	shalt  }
0x74: {  	_ =	shalt  }
0x75: {  	_ =	shalt  }
0x76: {  	_ =	shalt  }
0x77: {  	_ =	shalt  }
0x78: {  	_ =	shalt  }
0x79: {  	_ =	shalt  }
0x7a: {  	_ =	shalt  }
0x7b: {  	_ =	shalt  }
0x7c: {  	_ =	shalt  }
0x7d: {  	_ =	shalt  }
0x7e: {  	_ =	shalt  }
0x7f: {  	_ =	shalt  }
0x80: {  	_ =	shalt  }
0x81: {  	_ =	shalt  }
0x82: {  	_ =	shalt  }
0x83: {  	_ =	shalt  }
0x84: {  	_ =	shalt  }
0x85: {  	_ =	shalt  }
0x86: {  	_ =	shalt  }
0x87: {  	_ =	shalt  }
.Lfunc_end0:
.L_simem_size_0:
called_computation.1_lowered:
.L_overlay_start_0:
0x88: {  	s2 =	sld [smem:$0x3FD9]  }
0x89: {  	s3 =	sld [smem:$0x3FFE];
	_ =	sdelay $0x1  }
0x8a: {  	s1 =	srdreg.scid  }
0x8b: {  	s0 =	sand.u32 $0x1, s1  }
0x8c: {  	s16 =	sshll.u32 s0, $0xA;
	s2 =	sadd.s32 s3, s2  }
0x8d: {  	s2 =	sadd.s32 s2, s16  }
0x8e: {  	[smem:$0x3FC4] =	sst s2  }
0x8f: {  	_ = 	snop  }
0x90: {  	(tm) =	ssettm $0x1  }
0x91: {  	s17 =	sld [smem:$0x3FFB];
	_ =	sdelay $0x3  }
0x92: {  	_ =	strace s17  }
0x93: {  	s2 =	sld [smem:$0x3FFC];
	_ =	sdelay $0x3  }
0x94: {  	_ =	strace s2  }
0x95: {  	s2 =	sld [smem:$0x3FFD];
	_ =	sdelay $0x3  }
0x96: {  	_ =	strace s2  }
0x97: {  	_ =	strace $0x8FFFFFFF  }
0x98: {  	s18 =	sld [smem:$0x3FDB];
	_ =	sdelay $0x1  }
0x99: {  	s19 =	simm.s32 $_scs_section_size  }
0x9a: {  	s4 =	simm.s32 $_size__tile_overlayer_lowered;
	s5 =	simm.s32 $_tile_overlayer_lowered  }
0x9b: {  	s22 =	simm.s32 $0x1BFF;
	s21 =	sshll.u32 s5, $0x1;
	s2 =	sadd.s32 s19, s18  }
0x9c: {  	s6 =	simm.s32 $0x0;
	s20 =	sshll.u32 s4, $0x1;
	s4 =	sadd.s32 s21, s2  }
0x9d: {  	[timem:s6], [sflag:s22] =	dma.local [hbm:s4], s20  }
0x9e: {  	_ =	swait.ge [sflag:s22], s20  }
0x9f: {  	s3 =	ssub.s32 $0x0, s20;
	[sflag:s22] =	ssyncset.done $0x0  }
0xa0: {  	[sflag:s22] =	ssyncadd.s32 s3;
	_ =	sdelay $0x1  }
0xa1: {  	s23 =	simm.s32 $0x1B8B  }
0xa2: {  	_ =	swait.ge [sflag:s23], $0x1  }
0xa3: {  	[sflag:s23] =	ssyncset.done $0x0  }
0xa4: {  	s25 =	simm.s32 $0x1B8E;
	s24 =	sld [smem:$0x3FFE];
	[sflag:s23] =	ssyncadd.s32 $0xFFFFFFFF  }
0xa5: {  	s26 =	simm.s32 $execute0_lowered;
	[smem:$0x3FD2] =	sst s25  }
0xa6: {  	s4 =	sshll.u32 s26, $0x1;
	_ =	strace $0x80000046;
	[dreg:$0x1] =	wrdreg $0xFFFFFFFF  }
0xa7: {  	s28 =	simm.s32 $_size_execute0_lowered;
	s2 =	sadd.s32 s2, s4;
	[dreg:$0x0] =	wrdreg $0x0  }
0xa8: {  	s4 =	sshll.u32 s28, $0x1;
	[dreg:$0x2] =	wrdreg s2  }
0xa9: {  	[dreg:$0x3] =	wrdreg s4  }
0xaa: {  	[dreg:$0x4] =	wrdreg $0xC0  }
0xab: {  	_ =	task [dreg:s6], $0x5FFFF  }
0xac: {  	[dreg:$0x1] =	wrdreg $0xFFFFFFFF  }
0xad: {  	[dreg:$0x0] =	wrdreg $0x60  }
0xae: {  	[dreg:$0x2] =	wrdreg s24  }
0xaf: {  	[dreg:$0x3] =	wrdreg $0xA  }
0xb0: {  	_ =	task.clear_ibuf [dreg:s6], $0x4FFFF;
	_ =	strace $0x90000046  }
0xb1: {  	s29 =	simm.s32 $0xA;
	_ =	strace $0x80000048  }
0xb2: {  	_ =	swait.ge [sflag:s29], $0x1  }
0xb3: {  	[sflag:s29] =	ssyncadd.s32 $0xFFFFFFFF  }
0xb4: {  	_ =	strace $0x90000048  }
0xb5: {  	_ =	sfence  }
0xb6: {  	s30 =	sld [smem:$0x0];
	_ =	sdelay $0x2  }
0xb7: {  	s31 =	sshll.u32 s1, $0xD;
	s1 =	sshrl.u32 s1, $0x2  }
0xb8: {  	s3 =	sand.u32 $0x4000, s31;
	s1 =	sadd.s32 s1, s30  }
0xb9: {  	s0 =	sor.u32 s3, s0;
	s1 =	sshll.u32 s1, $0x11  }
0xba: {  	s0 =	sor.u32 s1, s0  }
0xbb: {  	s0 =	sadd.s32 $0x8F2B, s0  }
0xbc: {  	[sflag:s0] =	ssyncadd.remote.s32 $0x1  }
0xbd: {  	_ =	sfence.sel $0xFFFF  }
0xbe: {  	[dreg:$0x0] =	wrdreg $0xFFFFFFFF;
	(pc) =	sbr.abs _section_cstart, $3  }
0xbf: {  	[dreg:$0x1] =	wrdreg $0xFFFFFFFF  }
0xc0: {  	_ =	task.clear_ibuf [dreg:s6], $0x2FFFF;
	_ =	strace $0x9FFFFFFF  }
0xc1: {  	(tm) =	ssettm $0x7FFFFFFF  }
tec
execute0_lowered:
.L_overlay_start_1:
0x0: {  	(tag) =	ssettag $0x1  }
0x1: {  	s0 =	srdreg.scid  }
0x2: {  	s1 =	stileid.u32;
	s4 =	rddreg [dreg:$0x0];
	s2 =	simm.s32 $0x0  }
0x3: {  	s8 =	simm.s32 $0x9;
	s9 =	simm.s32 $0x64;
	s19 =	simm.s32 $0x208  }
0x4: {  	s20 =	simm.s32 $0xA680;
	s21 =	simm.s32 $0x270;
	s22 =	simm.s32 $0xB300  }
0x5: {  	s23 =	simm.s32 $0x2D8;
	s24 =	simm.s32 $0xBF80;
	s25 =	simm.s32 $0x1  }
0x6: {  	s28 =	simm.s32 $0x3;
	s29 =	simm.s32 $0x4;
	s30 =	simm.s32 $0x5  }
0x7: {  	s31 =	simm.s32 $0x6;
	s10 =	simm.s32 $0xCC00;
	s11 =	simm.s32 $0x10C00  }
0x8: {  	s12 =	simm.s32 $0x0;
	s0 =	sand.u32 $0x1, s0;
	s1 =	sshll.u32 s1, $0x1  }
0x9: {  	[smem:$0x7FF] =	sst s2;
	s3 =	sadd.s32 $0x1BC00, s4;
	s1 =	sor.u32 s0, s1  }
0xa: {  	_ =	strace $0x80000047;
	s0 =	ssub.s32 $0x2, s0;
	s5 =	smul.u32 $0xD00, s1  }
.Ltmp0:
0xb: {  	s6 =	sshll.u32 s1, $0xB;
	s1 =	sshll.u32 s1, $0xA;
	(pc) =	sbr.rel .LBB2_1-.Ltmp0, $4  }
0xc: {  	s26 =	sshrl.u32 s0, $0x1;
	s6 =	sadd.s32 s6, s4;
	s1 =	sadd.s32 s1, s4  }
0xd: {  	s0 =	ssub.s32 s0, s26;
	s26 =	simm.s32 $0x2;
	s5 =	sadd.s32 s5, s4  }
0xe: {  	s7 =	smax.u32 s0, $0x1;
	s0 =	simm.s32 $0x8;
	s4 =	sadd.s32 $0x1C00, s5  }
0xf: {  	s5 =	sadd.s32 $0x7D800, s6;
	s6 =	sadd.s32 $0x8D800, s1;
	s1 =	simm.s32 $0x7  }
.LBB2_36:
0x10: {  	[hbm4b:s5+s2] =	stream.linear.scatter [tilespmem:s10], [sflag:$0x9], $0x4000, $0x38;
	[tilespmem:$0x12C00] =	vst v63  }
0x11: {  	s12 =	sadd.s32 $0x1, s12;
	_ =	swait.ge [sflag:s8], $0x4000  }
0x12: {  	p0 =	sne.s32 s12, s7;
	[sflag:s8] =	ssyncset.done $0x0  }
.Ltmp1:
0x13: {  	[sflag:s8] =	ssyncadd.s32 $0xFFFFC000;
	(pc) =	sbr.rel @!p0 .LBB2_37-.Ltmp1, $4  }
0x14: {  	[hbm4b:s6+s2] =	stream.linear.scatter [tilespmem:s11], [sflag:$0x9], $0x2000, $0x38;
	[tilespmem:$0x12C00] =	vst v63  }
0x15: {  	_ =	swait.ge [sflag:s8], $0x2000  }
0x16: {  	[sflag:s8] =	ssyncset.done $0x0  }
0x17: {  	[sflag:s8] =	ssyncadd.s32 $0xFFFFE000  }
.LBB2_1:
0x18: {  	[tilespmem:s2], [sflag:$0x9] =	stream.linear.gather [hbm4b:s4+s2], $0x6800, $0x38;
	[tilespmem:$0x12C00] =	vst v63  }
0x19: {  	_ =	swait.ge [sflag:s8], $0x6800  }
0x1a: {  	[sflag:s8] =	ssyncset.done $0x0  }
0x1b: {  	s13 =	simm.s32 $0x6800;
	[sflag:s8] =	ssyncadd.s32 $0xFFFF9800  }
0x1c: {  	[tilespmem:s13], [sflag:$0x1] =	stream.indirect.gather [hbm4b:s3+s9], $0x20, s2, s9, $0xb8;
	[tilespmem:$0x12C00] =	vst v63  }
0x1d: {  	s16 =	simm.s32 $0x68;
	s14 =	simm.s32 $0x7480  }
0x1e: {  	[tilespmem:s14], [sflag:$0x2] =	stream.indirect.gather [hbm4b:s3+s9], $0x20, s16, s9, $0xb8;
	[tilespmem:$0x12C00] =	vst v63  }
0x1f: {  	s17 =	simm.s32 $0xD0;
	s18 =	simm.s32 $0x8100  }
0x20: {  	[tilespmem:s18], [sflag:$0x3] =	stream.indirect.gather [hbm4b:s3+s9], $0x20, s17, s9, $0xb8;
	[tilespmem:$0x12C00] =	vst v63  }
0x21: {  	s15 =	simm.s32 $0x138;
	s16 =	simm.s32 $0x8D80  }
0x22: {  	[tilespmem:s16], [sflag:$0x4] =	stream.indirect.gather [hbm4b:s3+s9], $0x20, s15, s9, $0xb8;
	[tilespmem:$0x12C00] =	vst v63  }
0x23: {  	s17 =	simm.s32 $0x1A0;
	s18 =	simm.s32 $0x9A00  }
0x24: {  	[tilespmem:s18], [sflag:$0x5] =	stream.indirect.gather [hbm4b:s3+s9], $0x20, s17, s9, $0xb8;
	[tilespmem:$0x12C00] =	vst v63  }
0x25: {  	_ = 	snop  }
0x26: {  	[tilespmem:s20], [sflag:$0x6] =	stream.indirect.gather [hbm4b:s3+s9], $0x20, s19, s9, $0xb8;
	[tilespmem:$0x12C00] =	vst v63  }
0x27: {  	_ = 	snop  }
0x28: {  	[tilespmem:s22], [sflag:$0x7] =	stream.indirect.gather [hbm4b:s3+s9], $0x20, s21, s9, $0xb8;
	[tilespmem:$0x12C00] =	vst v63  }
0x29: {  	s13 =	simm.s32 $0x0  }
0x2a: {  	[tilespmem:s24], [sflag:$0x8] =	stream.indirect.gather [hbm4b:s3+s9], $0x20, s23, s9, $0xb8;
	[tilespmem:$0x12C00] =	vst v63  }
.LBB2_2:
0x2b: {  	_ =	swait.ge [sflag:s25], $0xC80  }
0x2c: {  	[sflag:s25] =	ssyncset.done $0x0  }
0x2d: {  	s15 =	simm.s32 $0x0;
	[sflag:s25] =	ssyncadd.s32 $0xFFFFF380  }
0x2e: {  	v3 =	vld [tilespmem:s15+$0x6800];
	_ =	sdelay $0x1  }
0x2f: {  	v2 =	vld [tilespmem:s15+$0x6810]  }
0x30: {  	v1 =	vimm.f32 $0.0e+00;
	s14 =	simm.s32 $0x80;
	v0 =	vimm.f32 $0.0e+00;
	v4 =	vimm.f32 $0.0e+00  }
.LBB2_3:
0x31: {  	p0 =	sne.s32 s14, $0x1880  }
.Ltmp2:
0x32: {  	s15 =	sshra.s32 s14, $0x2;
	s14 =	sadd.s32 $0x80, s14;
	v1 =	vadd.f32 v3, v1;
	v5 =	vmul.f32 v3, v3;
	(pc) =	sbr.rel @p0 .LBB2_3-.Ltmp2, $4  }
0x33: {  	v3 =	vld [tilespmem:s15+$0x6800]  }
0x34: {  	v0 =	vadd.f32 v2, v0;
	v4 =	vadd.f32 v5, v4;
	v5 =	vmul.f32 v2, v2  }
0x35: {  	v2 =	vld [tilespmem:s15+$0x6810]  }
0x36: {  	v4 =	vadd.f32 v5, v4  }
0x37: {  	_ = 	snop  }
0x38: {  	v5 =	vmul.f32 v3, v3;
	_ =	sdelay $0x1  }
0x39: {  	s14 =	sshll.u32 s13, $0x9;
	v1 =	vadd.f32 v3, v1;
	v3 =	vadd.f32 v5, v4;
	v4 =	vmul.f32 v2, v2  }
0x3a: {  	s14 =	sand.u32 $0x3FFFFE00, s14;
	v0 =	vadd.f32 v2, v0  }
0x3b: {  	s15 =	sshll.u32 s13, $0x8;
	[tilespmem:s14+$0xCC00] =	vst v1;
	v2 =	vadd.f32 v4, v3  }
0x3c: {  	s17 =	sand.u32 $0x3FFFFF00, s15;
	[tilespmem:s14+$0xCC10] =	vst v0  }
0x3d: {  	s18 =	simm.s32 $0x0;
	[tilespmem:s17+$0x10C00] =	vst v2  }
0x3e: {  	v3 =	vld [tilespmem:s18+$0x6E40];
	_ =	sdelay $0x1  }
0x3f: {  	v1 =	vld [tilespmem:s18+$0x6E50]  }
0x40: {  	s14 =	simm.s32 $0x80;
	v0 =	vimm.f32 $0.0e+00;
	v4 =	vimm.f32 $0.0e+00;
	v2 =	vimm.f32 $0.0e+00  }
.LBB2_5:
0x41: {  	p0 =	sne.s32 s14, $0x1880  }
.Ltmp3:
0x42: {  	s15 =	sshra.s32 s14, $0x2;
	s14 =	sadd.s32 $0x80, s14;
	v2 =	vadd.f32 v3, v2;
	v5 =	vmul.f32 v3, v3;
	(pc) =	sbr.rel @p0 .LBB2_5-.Ltmp3, $4  }
0x43: {  	v3 =	vld [tilespmem:s15+$0x6E40]  }
0x44: {  	v0 =	vadd.f32 v1, v0;
	v4 =	vadd.f32 v5, v4;
	v5 =	vmul.f32 v1, v1  }
0x45: {  	v1 =	vld [tilespmem:s15+$0x6E50]  }
0x46: {  	v4 =	vadd.f32 v5, v4  }
0x47: {  	_ = 	snop  }
0x48: {  	s14 =	sshll.u32 s13, $0x4;
	v5 =	vmul.f32 v3, v3  }
0x49: {  	s15 =	sor.u32 $0x1, s14  }
0x4a: {  	p0 =	seq.s32 s13, $0x1F;
	v2 =	vadd.f32 v3, v2;
	s16 =	sshll.u32 s15, $0x5;
	v3 =	vadd.f32 v5, v4;
	v4 =	vmul.f32 v1, v1  }
0x4b: {  	s17 =	smul.u32 @!p0 $0xD00, s13;
	v0 =	vadd.f32 v1, v0;
	s16 =	sand.u32 $0x3FFFFE20, s16  }
0x4c: {  	s15 =	sshll.u32 s15, $0x4;
	[tilespmem:s16+$0xCC00] =	vst v2;
	v1 =	vadd.f32 v4, v3  }
0x4d: {  	s18 =	sand.u32 $0x3FFFFF10, s15;
	s15 =	sshra.s32 @!p0 s17, $0x2;
	[tilespmem:s16+$0xCC10] =	vst v0  }
0x4e: {  	s17 =	simm.s32 @!p0 $0x64;
	s16 =	sadd.s32 @!p0 $0x340, s15;
	[tilespmem:s18+$0x10C00] =	vst v1;
	s18 =	simm.s32 @!p0 $0x6800  }
0x4f: {  	[tilespmem:s18], [sflag:$0x1] =	stream.indirect.gather @!p0 [hbm4b:s3+s17], $0x20, s16, s17, $0xb8;
	[tilespmem:$0x12C00] =	vst v63  }
0x50: {  	_ =	swait.ge [sflag:s26], $0xC80  }
0x51: {  	[sflag:s26] =	ssyncset.done $0x0  }
0x52: {  	s18 =	simm.s32 $0x0;
	[sflag:s26] =	ssyncadd.s32 $0xFFFFF380  }
0x53: {  	v3 =	vld [tilespmem:s18+$0x7480];
	_ =	sdelay $0x1  }
0x54: {  	v2 =	vld [tilespmem:s18+$0x7490]  }
0x55: {  	v0 =	vimm.f32 $0.0e+00;
	v4 =	vimm.f32 $0.0e+00;
	v1 =	vimm.f32 $0.0e+00;
	s16 =	simm.s32 $0x80  }
.LBB2_7:
0x56: {  	p1 =	sne.s32 s16, $0x1880  }
.Ltmp4:
0x57: {  	s17 =	sshra.s32 s16, $0x2;
	s16 =	sadd.s32 $0x80, s16;
	v1 =	vadd.f32 v3, v1;
	v5 =	vmul.f32 v3, v3;
	(pc) =	sbr.rel @p1 .LBB2_7-.Ltmp4, $4  }
0x58: {  	v3 =	vld [tilespmem:s17+$0x7480]  }
0x59: {  	v0 =	vadd.f32 v2, v0;
	v4 =	vadd.f32 v5, v4;
	v5 =	vmul.f32 v2, v2  }
0x5a: {  	v2 =	vld [tilespmem:s17+$0x7490]  }
0x5b: {  	v4 =	vadd.f32 v5, v4  }
0x5c: {  	_ = 	snop  }
0x5d: {  	v5 =	vmul.f32 v3, v3  }
0x5e: {  	s16 =	sor.u32 $0x2, s14  }
0x5f: {  	v1 =	vadd.f32 v3, v1;
	s17 =	sshll.u32 s16, $0x5;
	v3 =	vadd.f32 v5, v4;
	v4 =	vmul.f32 v2, v2  }
0x60: {  	s17 =	sand.u32 $0x3FFFFFE0, s17;
	v0 =	vadd.f32 v2, v0  }
0x61: {  	s16 =	sshll.u32 s16, $0x4;
	[tilespmem:s17+$0xCC00] =	vst v1;
	v2 =	vadd.f32 v4, v3  }
0x62: {  	s16 =	sand.u32 $0x3FFFFFF0, s16;
	[tilespmem:s17+$0xCC10] =	vst v0  }
0x63: {  	s18 =	simm.s32 $0x0;
	[tilespmem:s16+$0x10C00] =	vst v2  }
0x64: {  	v3 =	vld [tilespmem:s18+$0x7AC0];
	_ =	sdelay $0x1  }
0x65: {  	v2 =	vld [tilespmem:s18+$0x7AD0]  }
0x66: {  	v1 =	vimm.f32 $0.0e+00;
	v0 =	vimm.f32 $0.0e+00;
	v4 =	vimm.f32 $0.0e+00;
	s16 =	simm.s32 $0x80  }
.LBB2_9:
0x67: {  	p1 =	sne.s32 s16, $0x1880  }
.Ltmp5:
0x68: {  	s17 =	sshra.s32 s16, $0x2;
	s16 =	sadd.s32 $0x80, s16;
	v1 =	vadd.f32 v3, v1;
	v5 =	vmul.f32 v3, v3;
	(pc) =	sbr.rel @p1 .LBB2_9-.Ltmp5, $4  }
0x69: {  	v3 =	vld [tilespmem:s17+$0x7AC0]  }
0x6a: {  	v0 =	vadd.f32 v2, v0;
	v4 =	vadd.f32 v5, v4;
	v5 =	vmul.f32 v2, v2  }
0x6b: {  	v2 =	vld [tilespmem:s17+$0x7AD0]  }
0x6c: {  	v4 =	vadd.f32 v5, v4  }
0x6d: {  	_ = 	snop  }
0x6e: {  	v5 =	vmul.f32 v3, v3  }
0x6f: {  	s16 =	sor.u32 $0x3, s14  }
0x70: {  	v1 =	vadd.f32 v3, v1;
	s17 =	sshll.u32 s16, $0x5;
	v3 =	vadd.f32 v5, v4;
	v4 =	vmul.f32 v2, v2  }
0x71: {  	s17 =	sand.u32 $0x3FFFFFE0, s17;
	v0 =	vadd.f32 v2, v0  }
0x72: {  	s16 =	sshll.u32 s16, $0x4;
	[tilespmem:s17+$0xCC00] =	vst v1;
	v2 =	vadd.f32 v4, v3  }
0x73: {  	s16 =	sand.u32 $0x3FFFFFF0, s16;
	[tilespmem:s17+$0xCC10] =	vst v0  }
0x74: {  	s18 =	simm.s32 @!p0 $0x7480;
	s17 =	simm.s32 @!p0 $0x64;
	[tilespmem:s16+$0x10C00] =	vst v2;
	s16 =	sadd.s32 @!p0 $0x3A8, s15  }
0x75: {  	[tilespmem:s18], [sflag:$0x2] =	stream.indirect.gather @!p0 [hbm4b:s3+s17], $0x20, s16, s17, $0xb8;
	[tilespmem:$0x12C00] =	vst v63  }
0x76: {  	_ =	swait.ge [sflag:s28], $0xC80  }
0x77: {  	[sflag:s28] =	ssyncset.done $0x0  }
0x78: {  	s18 =	simm.s32 $0x0;
	[sflag:s28] =	ssyncadd.s32 $0xFFFFF380  }
0x79: {  	v3 =	vld [tilespmem:s18+$0x8100];
	_ =	sdelay $0x1  }
0x7a: {  	v2 =	vld [tilespmem:s18+$0x8110]  }
0x7b: {  	v1 =	vimm.f32 $0.0e+00;
	v0 =	vimm.f32 $0.0e+00;
	v4 =	vimm.f32 $0.0e+00;
	s16 =	simm.s32 $0x80  }
.LBB2_11:
0x7c: {  	p1 =	sne.s32 s16, $0x1880  }
.Ltmp6:
0x7d: {  	s17 =	sshra.s32 s16, $0x2;
	s16 =	sadd.s32 $0x80, s16;
	v1 =	vadd.f32 v3, v1;
	v5 =	vmul.f32 v3, v3;
	(pc) =	sbr.rel @p1 .LBB2_11-.Ltmp6, $4  }
0x7e: {  	v3 =	vld [tilespmem:s17+$0x8100]  }
0x7f: {  	v0 =	vadd.f32 v2, v0;
	v4 =	vadd.f32 v5, v4;
	v5 =	vmul.f32 v2, v2  }
0x80: {  	v2 =	vld [tilespmem:s17+$0x8110]  }
0x81: {  	v4 =	vadd.f32 v5, v4  }
0x82: {  	_ = 	snop  }
0x83: {  	v5 =	vmul.f32 v3, v3  }
0x84: {  	s16 =	sor.u32 $0x4, s14  }
0x85: {  	v1 =	vadd.f32 v3, v1;
	s17 =	sshll.u32 s16, $0x5;
	v3 =	vadd.f32 v5, v4;
	v4 =	vmul.f32 v2, v2  }
0x86: {  	s17 =	sand.u32 $0x3FFFFFE0, s17;
	v0 =	vadd.f32 v2, v0  }
0x87: {  	s16 =	sshll.u32 s16, $0x4;
	[tilespmem:s17+$0xCC00] =	vst v1;
	v2 =	vadd.f32 v4, v3  }
0x88: {  	s16 =	sand.u32 $0x3FFFFFF0, s16;
	[tilespmem:s17+$0xCC10] =	vst v0  }
0x89: {  	s18 =	simm.s32 $0x0;
	[tilespmem:s16+$0x10C00] =	vst v2  }
0x8a: {  	v3 =	vld [tilespmem:s18+$0x8740];
	_ =	sdelay $0x1  }
0x8b: {  	v2 =	vld [tilespmem:s18+$0x8750]  }
0x8c: {  	v1 =	vimm.f32 $0.0e+00;
	v0 =	vimm.f32 $0.0e+00;
	v4 =	vimm.f32 $0.0e+00;
	s16 =	simm.s32 $0x80  }
.LBB2_13:
0x8d: {  	p1 =	sne.s32 s16, $0x1880  }
.Ltmp7:
0x8e: {  	s17 =	sshra.s32 s16, $0x2;
	s16 =	sadd.s32 $0x80, s16;
	v1 =	vadd.f32 v3, v1;
	v5 =	vmul.f32 v3, v3;
	(pc) =	sbr.rel @p1 .LBB2_13-.Ltmp7, $4  }
0x8f: {  	v3 =	vld [tilespmem:s17+$0x8740]  }
0x90: {  	v0 =	vadd.f32 v2, v0;
	v4 =	vadd.f32 v5, v4;
	v5 =	vmul.f32 v2, v2  }
0x91: {  	v2 =	vld [tilespmem:s17+$0x8750]  }
0x92: {  	v4 =	vadd.f32 v5, v4  }
0x93: {  	_ = 	snop  }
0x94: {  	v5 =	vmul.f32 v3, v3  }
0x95: {  	s16 =	sor.u32 $0x5, s14  }
0x96: {  	v1 =	vadd.f32 v3, v1;
	s17 =	sshll.u32 s16, $0x5;
	v3 =	vadd.f32 v5, v4;
	v4 =	vmul.f32 v2, v2  }
0x97: {  	s17 =	sand.u32 $0x3FFFFFE0, s17;
	v0 =	vadd.f32 v2, v0  }
0x98: {  	s16 =	sshll.u32 s16, $0x4;
	[tilespmem:s17+$0xCC00] =	vst v1;
	v2 =	vadd.f32 v4, v3  }
0x99: {  	s16 =	sand.u32 $0x3FFFFFF0, s16;
	[tilespmem:s17+$0xCC10] =	vst v0  }
0x9a: {  	s18 =	simm.s32 @!p0 $0x8100;
	s17 =	simm.s32 @!p0 $0x64;
	[tilespmem:s16+$0x10C00] =	vst v2;
	s16 =	sadd.s32 @!p0 $0x410, s15  }
0x9b: {  	[tilespmem:s18], [sflag:$0x3] =	stream.indirect.gather @!p0 [hbm4b:s3+s17], $0x20, s16, s17, $0xb8;
	[tilespmem:$0x12C00] =	vst v63  }
0x9c: {  	_ =	swait.ge [sflag:s29], $0xC80  }
0x9d: {  	[sflag:s29] =	ssyncset.done $0x0  }
0x9e: {  	s18 =	simm.s32 $0x0;
	[sflag:s29] =	ssyncadd.s32 $0xFFFFF380  }
0x9f: {  	v3 =	vld [tilespmem:s18+$0x8D80];
	_ =	sdelay $0x1  }
0xa0: {  	v2 =	vld [tilespmem:s18+$0x8D90]  }
0xa1: {  	v1 =	vimm.f32 $0.0e+00;
	v0 =	vimm.f32 $0.0e+00;
	v4 =	vimm.f32 $0.0e+00;
	s16 =	simm.s32 $0x80  }
.LBB2_15:
0xa2: {  	p1 =	sne.s32 s16, $0x1880  }
.Ltmp8:
0xa3: {  	s17 =	sshra.s32 s16, $0x2;
	s16 =	sadd.s32 $0x80, s16;
	v1 =	vadd.f32 v3, v1;
	v5 =	vmul.f32 v3, v3;
	(pc) =	sbr.rel @p1 .LBB2_15-.Ltmp8, $4  }
0xa4: {  	v3 =	vld [tilespmem:s17+$0x8D80]  }
0xa5: {  	v0 =	vadd.f32 v2, v0;
	v4 =	vadd.f32 v5, v4;
	v5 =	vmul.f32 v2, v2  }
0xa6: {  	v2 =	vld [tilespmem:s17+$0x8D90]  }
0xa7: {  	v4 =	vadd.f32 v5, v4  }
0xa8: {  	_ = 	snop  }
0xa9: {  	v5 =	vmul.f32 v3, v3  }
0xaa: {  	s16 =	sor.u32 $0x6, s14  }
0xab: {  	v1 =	vadd.f32 v3, v1;
	s17 =	sshll.u32 s16, $0x5;
	v3 =	vadd.f32 v5, v4;
	v4 =	vmul.f32 v2, v2  }
0xac: {  	s17 =	sand.u32 $0x3FFFFFE0, s17;
	v0 =	vadd.f32 v2, v0  }
0xad: {  	s16 =	sshll.u32 s16, $0x4;
	[tilespmem:s17+$0xCC00] =	vst v1;
	v2 =	vadd.f32 v4, v3  }
0xae: {  	s16 =	sand.u32 $0x3FFFFFF0, s16;
	[tilespmem:s17+$0xCC10] =	vst v0  }
0xaf: {  	s18 =	simm.s32 $0x0;
	[tilespmem:s16+$0x10C00] =	vst v2  }
0xb0: {  	v3 =	vld [tilespmem:s18+$0x93C0];
	_ =	sdelay $0x1  }
0xb1: {  	v2 =	vld [tilespmem:s18+$0x93D0]  }
0xb2: {  	v1 =	vimm.f32 $0.0e+00;
	v0 =	vimm.f32 $0.0e+00;
	v4 =	vimm.f32 $0.0e+00;
	s16 =	simm.s32 $0x80  }
.LBB2_17:
0xb3: {  	p1 =	sne.s32 s16, $0x1880  }
.Ltmp9:
0xb4: {  	s17 =	sshra.s32 s16, $0x2;
	s16 =	sadd.s32 $0x80, s16;
	v1 =	vadd.f32 v3, v1;
	v5 =	vmul.f32 v3, v3;
	(pc) =	sbr.rel @p1 .LBB2_17-.Ltmp9, $4  }
0xb5: {  	v3 =	vld [tilespmem:s17+$0x93C0]  }
0xb6: {  	v0 =	vadd.f32 v2, v0;
	v4 =	vadd.f32 v5, v4;
	v5 =	vmul.f32 v2, v2  }
0xb7: {  	v2 =	vld [tilespmem:s17+$0x93D0]  }
0xb8: {  	v4 =	vadd.f32 v5, v4  }
0xb9: {  	_ = 	snop  }
0xba: {  	v5 =	vmul.f32 v3, v3  }
0xbb: {  	s16 =	sor.u32 $0x7, s14  }
0xbc: {  	v1 =	vadd.f32 v3, v1;
	s17 =	sshll.u32 s16, $0x5;
	v3 =	vadd.f32 v5, v4;
	v4 =	vmul.f32 v2, v2  }
0xbd: {  	s17 =	sand.u32 $0x3FFFFFE0, s17;
	v0 =	vadd.f32 v2, v0  }
0xbe: {  	s16 =	sshll.u32 s16, $0x4;
	[tilespmem:s17+$0xCC00] =	vst v1;
	v2 =	vadd.f32 v4, v3  }
0xbf: {  	s16 =	sand.u32 $0x3FFFFFF0, s16;
	[tilespmem:s17+$0xCC10] =	vst v0  }
0xc0: {  	s18 =	simm.s32 @!p0 $0x8D80;
	s17 =	simm.s32 @!p0 $0x64;
	[tilespmem:s16+$0x10C00] =	vst v2;
	s16 =	sadd.s32 @!p0 $0x478, s15  }
0xc1: {  	[tilespmem:s18], [sflag:$0x4] =	stream.indirect.gather @!p0 [hbm4b:s3+s17], $0x20, s16, s17, $0xb8;
	[tilespmem:$0x12C00] =	vst v63  }
0xc2: {  	_ =	swait.ge [sflag:s30], $0xC80  }
0xc3: {  	[sflag:s30] =	ssyncset.done $0x0  }
0xc4: {  	s18 =	simm.s32 $0x0;
	[sflag:s30] =	ssyncadd.s32 $0xFFFFF380  }
0xc5: {  	v3 =	vld [tilespmem:s18+$0x9A00];
	_ =	sdelay $0x1  }
0xc6: {  	v2 =	vld [tilespmem:s18+$0x9A10]  }
0xc7: {  	v1 =	vimm.f32 $0.0e+00;
	v0 =	vimm.f32 $0.0e+00;
	v4 =	vimm.f32 $0.0e+00;
	s16 =	simm.s32 $0x80  }
.LBB2_19:
0xc8: {  	p1 =	sne.s32 s16, $0x1880  }
.Ltmp10:
0xc9: {  	s17 =	sshra.s32 s16, $0x2;
	s16 =	sadd.s32 $0x80, s16;
	v1 =	vadd.f32 v3, v1;
	v5 =	vmul.f32 v3, v3;
	(pc) =	sbr.rel @p1 .LBB2_19-.Ltmp10, $4  }
0xca: {  	v3 =	vld [tilespmem:s17+$0x9A00]  }
0xcb: {  	v0 =	vadd.f32 v2, v0;
	v4 =	vadd.f32 v5, v4;
	v5 =	vmul.f32 v2, v2  }
0xcc: {  	v2 =	vld [tilespmem:s17+$0x9A10]  }
0xcd: {  	v4 =	vadd.f32 v5, v4  }
0xce: {  	_ = 	snop  }
0xcf: {  	v5 =	vmul.f32 v3, v3  }
0xd0: {  	s16 =	sor.u32 $0x8, s14  }
0xd1: {  	v1 =	vadd.f32 v3, v1;
	s17 =	sshll.u32 s16, $0x5;
	v3 =	vadd.f32 v5, v4;
	v4 =	vmul.f32 v2, v2  }
0xd2: {  	s17 =	sand.u32 $0x3FFFFFE0, s17;
	v0 =	vadd.f32 v2, v0  }
0xd3: {  	s16 =	sshll.u32 s16, $0x4;
	[tilespmem:s17+$0xCC00] =	vst v1;
	v2 =	vadd.f32 v4, v3  }
0xd4: {  	s16 =	sand.u32 $0x3FFFFFF0, s16;
	[tilespmem:s17+$0xCC10] =	vst v0  }
0xd5: {  	s18 =	simm.s32 $0x0;
	[tilespmem:s16+$0x10C00] =	vst v2  }
0xd6: {  	v3 =	vld [tilespmem:s18+$0xA040];
	_ =	sdelay $0x1  }
0xd7: {  	v2 =	vld [tilespmem:s18+$0xA050]  }
0xd8: {  	v1 =	vimm.f32 $0.0e+00;
	v0 =	vimm.f32 $0.0e+00;
	v4 =	vimm.f32 $0.0e+00;
	s16 =	simm.s32 $0x80  }
.LBB2_21:
0xd9: {  	p1 =	sne.s32 s16, $0x1880  }
.Ltmp11:
0xda: {  	s17 =	sshra.s32 s16, $0x2;
	s16 =	sadd.s32 $0x80, s16;
	v1 =	vadd.f32 v3, v1;
	v5 =	vmul.f32 v3, v3;
	(pc) =	sbr.rel @p1 .LBB2_21-.Ltmp11, $4  }
0xdb: {  	v3 =	vld [tilespmem:s17+$0xA040]  }
0xdc: {  	v0 =	vadd.f32 v2, v0;
	v4 =	vadd.f32 v5, v4;
	v5 =	vmul.f32 v2, v2  }
0xdd: {  	v2 =	vld [tilespmem:s17+$0xA050]  }
0xde: {  	v4 =	vadd.f32 v5, v4  }
0xdf: {  	_ = 	snop  }
0xe0: {  	v5 =	vmul.f32 v3, v3  }
0xe1: {  	s16 =	sor.u32 $0x9, s14  }
0xe2: {  	v1 =	vadd.f32 v3, v1;
	s17 =	sshll.u32 s16, $0x5;
	v3 =	vadd.f32 v5, v4;
	v4 =	vmul.f32 v2, v2  }
0xe3: {  	s17 =	sand.u32 $0x3FFFFFE0, s17;
	v0 =	vadd.f32 v2, v0  }
0xe4: {  	s16 =	sshll.u32 s16, $0x4;
	[tilespmem:s17+$0xCC00] =	vst v1;
	v2 =	vadd.f32 v4, v3  }
0xe5: {  	s16 =	sand.u32 $0x3FFFFFF0, s16;
	[tilespmem:s17+$0xCC10] =	vst v0  }
0xe6: {  	s18 =	simm.s32 @!p0 $0x9A00;
	s17 =	simm.s32 @!p0 $0x64;
	[tilespmem:s16+$0x10C00] =	vst v2;
	s16 =	sadd.s32 @!p0 $0x4E0, s15  }
0xe7: {  	[tilespmem:s18], [sflag:$0x5] =	stream.indirect.gather @!p0 [hbm4b:s3+s17], $0x20, s16, s17, $0xb8;
	[tilespmem:$0x12C00] =	vst v63  }
0xe8: {  	_ =	swait.ge [sflag:s31], $0xC80  }
0xe9: {  	[sflag:s31] =	ssyncset.done $0x0  }
0xea: {  	s18 =	simm.s32 $0x0;
	[sflag:s31] =	ssyncadd.s32 $0xFFFFF380  }
0xeb: {  	v3 =	vld [tilespmem:s18+$0xA680];
	_ =	sdelay $0x1  }
0xec: {  	v2 =	vld [tilespmem:s18+$0xA690]  }
0xed: {  	v1 =	vimm.f32 $0.0e+00;
	v0 =	vimm.f32 $0.0e+00;
	v4 =	vimm.f32 $0.0e+00;
	s16 =	simm.s32 $0x80  }
.LBB2_23:
0xee: {  	p1 =	sne.s32 s16, $0x1880  }
.Ltmp12:
0xef: {  	s17 =	sshra.s32 s16, $0x2;
	s16 =	sadd.s32 $0x80, s16;
	v1 =	vadd.f32 v3, v1;
	v5 =	vmul.f32 v3, v3;
	(pc) =	sbr.rel @p1 .LBB2_23-.Ltmp12, $4  }
0xf0: {  	v3 =	vld [tilespmem:s17+$0xA680]  }
0xf1: {  	v0 =	vadd.f32 v2, v0;
	v4 =	vadd.f32 v5, v4;
	v5 =	vmul.f32 v2, v2  }
0xf2: {  	v2 =	vld [tilespmem:s17+$0xA690]  }
0xf3: {  	v4 =	vadd.f32 v5, v4  }
0xf4: {  	_ = 	snop  }
0xf5: {  	v5 =	vmul.f32 v3, v3  }
0xf6: {  	s16 =	sor.u32 $0xA, s14  }
0xf7: {  	v1 =	vadd.f32 v3, v1;
	s17 =	sshll.u32 s16, $0x5;
	v3 =	vadd.f32 v5, v4;
	v4 =	vmul.f32 v2, v2  }
0xf8: {  	s17 =	sand.u32 $0x3FFFFFE0, s17;
	v0 =	vadd.f32 v2, v0  }
0xf9: {  	s16 =	sshll.u32 s16, $0x4;
	[tilespmem:s17+$0xCC00] =	vst v1;
	v2 =	vadd.f32 v4, v3  }
0xfa: {  	s16 =	sand.u32 $0x3FFFFFF0, s16;
	[tilespmem:s17+$0xCC10] =	vst v0  }
0xfb: {  	s18 =	simm.s32 $0x0;
	[tilespmem:s16+$0x10C00] =	vst v2  }
0xfc: {  	v3 =	vld [tilespmem:s18+$0xACC0];
	_ =	sdelay $0x1  }
0xfd: {  	v2 =	vld [tilespmem:s18+$0xACD0]  }
0xfe: {  	v1 =	vimm.f32 $0.0e+00;
	v0 =	vimm.f32 $0.0e+00;
	v4 =	vimm.f32 $0.0e+00;
	s16 =	simm.s32 $0x80  }
.LBB2_25:
0xff: {  	p1 =	sne.s32 s16, $0x1880  }
.Ltmp13:
0x100: {  	s17 =	sshra.s32 s16, $0x2;
	s16 =	sadd.s32 $0x80, s16;
	v1 =	vadd.f32 v3, v1;
	v5 =	vmul.f32 v3, v3;
	(pc) =	sbr.rel @p1 .LBB2_25-.Ltmp13, $4  }
0x101: {  	v3 =	vld [tilespmem:s17+$0xACC0]  }
0x102: {  	v0 =	vadd.f32 v2, v0;
	v4 =	vadd.f32 v5, v4;
	v5 =	vmul.f32 v2, v2  }
0x103: {  	v2 =	vld [tilespmem:s17+$0xACD0]  }
0x104: {  	v4 =	vadd.f32 v5, v4  }
0x105: {  	_ = 	snop  }
0x106: {  	v5 =	vmul.f32 v3, v3  }
0x107: {  	s16 =	sor.u32 $0xB, s14  }
0x108: {  	v1 =	vadd.f32 v3, v1;
	s17 =	sshll.u32 s16, $0x5;
	v3 =	vadd.f32 v5, v4;
	v4 =	vmul.f32 v2, v2  }
0x109: {  	s17 =	sand.u32 $0x3FFFFFE0, s17;
	v0 =	vadd.f32 v2, v0  }
0x10a: {  	s16 =	sshll.u32 s16, $0x4;
	[tilespmem:s17+$0xCC00] =	vst v1;
	v2 =	vadd.f32 v4, v3  }
0x10b: {  	s16 =	sand.u32 $0x3FFFFFF0, s16;
	[tilespmem:s17+$0xCC10] =	vst v0  }
0x10c: {  	s18 =	simm.s32 @!p0 $0xA680;
	s17 =	simm.s32 @!p0 $0x64;
	[tilespmem:s16+$0x10C00] =	vst v2;
	s16 =	sadd.s32 @!p0 $0x548, s15  }
0x10d: {  	[tilespmem:s18], [sflag:$0x6] =	stream.indirect.gather @!p0 [hbm4b:s3+s17], $0x20, s16, s17, $0xb8;
	[tilespmem:$0x12C00] =	vst v63  }
0x10e: {  	_ =	swait.ge [sflag:s1], $0xC80  }
0x10f: {  	[sflag:s1] =	ssyncset.done $0x0  }
0x110: {  	s18 =	simm.s32 $0x0;
	[sflag:s1] =	ssyncadd.s32 $0xFFFFF380  }
0x111: {  	v3 =	vld [tilespmem:s18+$0xB300];
	_ =	sdelay $0x1  }
0x112: {  	v2 =	vld [tilespmem:s18+$0xB310]  }
0x113: {  	v1 =	vimm.f32 $0.0e+00;
	v0 =	vimm.f32 $0.0e+00;
	v4 =	vimm.f32 $0.0e+00;
	s16 =	simm.s32 $0x80  }
.LBB2_27:
0x114: {  	p1 =	sne.s32 s16, $0x1880  }
.Ltmp14:
0x115: {  	s17 =	sshra.s32 s16, $0x2;
	s16 =	sadd.s32 $0x80, s16;
	v1 =	vadd.f32 v3, v1;
	v5 =	vmul.f32 v3, v3;
	(pc) =	sbr.rel @p1 .LBB2_27-.Ltmp14, $4  }
0x116: {  	v3 =	vld [tilespmem:s17+$0xB300]  }
0x117: {  	v0 =	vadd.f32 v2, v0;
	v4 =	vadd.f32 v5, v4;
	v5 =	vmul.f32 v2, v2  }
0x118: {  	v2 =	vld [tilespmem:s17+$0xB310]  }
0x119: {  	v4 =	vadd.f32 v5, v4  }
0x11a: {  	_ = 	snop  }
0x11b: {  	v5 =	vmul.f32 v3, v3  }
0x11c: {  	s16 =	sor.u32 $0xC, s14  }
0x11d: {  	v1 =	vadd.f32 v3, v1;
	s17 =	sshll.u32 s16, $0x5;
	v3 =	vadd.f32 v5, v4;
	v4 =	vmul.f32 v2, v2  }
0x11e: {  	s17 =	sand.u32 $0x3FFFFFE0, s17;
	v0 =	vadd.f32 v2, v0  }
0x11f: {  	s16 =	sshll.u32 s16, $0x4;
	[tilespmem:s17+$0xCC00] =	vst v1;
	v2 =	vadd.f32 v4, v3  }
0x120: {  	s16 =	sand.u32 $0x3FFFFFF0, s16;
	[tilespmem:s17+$0xCC10] =	vst v0  }
0x121: {  	s18 =	simm.s32 $0x0;
	[tilespmem:s16+$0x10C00] =	vst v2  }
0x122: {  	v3 =	vld [tilespmem:s18+$0xB940];
	_ =	sdelay $0x1  }
0x123: {  	v2 =	vld [tilespmem:s18+$0xB950]  }
0x124: {  	v1 =	vimm.f32 $0.0e+00;
	v0 =	vimm.f32 $0.0e+00;
	v4 =	vimm.f32 $0.0e+00;
	s16 =	simm.s32 $0x80  }
.LBB2_29:
0x125: {  	p1 =	sne.s32 s16, $0x1880  }
.Ltmp15:
0x126: {  	s17 =	sshra.s32 s16, $0x2;
	s16 =	sadd.s32 $0x80, s16;
	v1 =	vadd.f32 v3, v1;
	v5 =	vmul.f32 v3, v3;
	(pc) =	sbr.rel @p1 .LBB2_29-.Ltmp15, $4  }
0x127: {  	v3 =	vld [tilespmem:s17+$0xB940]  }
0x128: {  	v0 =	vadd.f32 v2, v0;
	v4 =	vadd.f32 v5, v4;
	v5 =	vmul.f32 v2, v2  }
0x129: {  	v2 =	vld [tilespmem:s17+$0xB950]  }
0x12a: {  	v4 =	vadd.f32 v5, v4  }
0x12b: {  	_ = 	snop  }
0x12c: {  	v5 =	vmul.f32 v3, v3  }
0x12d: {  	s16 =	sor.u32 $0xD, s14  }
0x12e: {  	v1 =	vadd.f32 v3, v1;
	s17 =	sshll.u32 s16, $0x5;
	v3 =	vadd.f32 v5, v4;
	v4 =	vmul.f32 v2, v2  }
0x12f: {  	s17 =	sand.u32 $0x3FFFFFE0, s17;
	v0 =	vadd.f32 v2, v0  }
0x130: {  	s16 =	sshll.u32 s16, $0x4;
	[tilespmem:s17+$0xCC00] =	vst v1;
	v2 =	vadd.f32 v4, v3  }
0x131: {  	s16 =	sand.u32 $0x3FFFFFF0, s16;
	[tilespmem:s17+$0xCC10] =	vst v0  }
0x132: {  	s15 =	sadd.s32 @!p0 $0x5B0, s15;
	s17 =	simm.s32 @!p0 $0xB300;
	[tilespmem:s16+$0x10C00] =	vst v2;
	s16 =	simm.s32 @!p0 $0x64  }
0x133: {  	[tilespmem:s17], [sflag:$0x7] =	stream.indirect.gather @!p0 [hbm4b:s3+s16], $0x20, s15, s16, $0xb8;
	[tilespmem:$0x12C00] =	vst v63  }
0x134: {  	_ =	swait.ge [sflag:s0], $0xC80  }
0x135: {  	[sflag:s0] =	ssyncset.done $0x0  }
0x136: {  	s18 =	simm.s32 $0x0;
	[sflag:s0] =	ssyncadd.s32 $0xFFFFF380  }
0x137: {  	v3 =	vld [tilespmem:s18+$0xBF80];
	_ =	sdelay $0x1  }
0x138: {  	v2 =	vld [tilespmem:s18+$0xBF90]  }
0x139: {  	v1 =	vimm.f32 $0.0e+00;
	v0 =	vimm.f32 $0.0e+00;
	v4 =	vimm.f32 $0.0e+00;
	s15 =	simm.s32 $0x80  }
.LBB2_31:
0x13a: {  	p1 =	sne.s32 s15, $0x1880  }
.Ltmp16:
0x13b: {  	s16 =	sshra.s32 s15, $0x2;
	s15 =	sadd.s32 $0x80, s15;
	v1 =	vadd.f32 v3, v1;
	v5 =	vmul.f32 v3, v3;
	(pc) =	sbr.rel @p1 .LBB2_31-.Ltmp16, $4  }
0x13c: {  	v3 =	vld [tilespmem:s16+$0xBF80]  }
0x13d: {  	v0 =	vadd.f32 v2, v0;
	v4 =	vadd.f32 v5, v4;
	v5 =	vmul.f32 v2, v2  }
0x13e: {  	v2 =	vld [tilespmem:s16+$0xBF90]  }
0x13f: {  	v4 =	vadd.f32 v5, v4  }
0x140: {  	_ = 	snop  }
0x141: {  	v5 =	vmul.f32 v3, v3  }
0x142: {  	s15 =	sor.u32 $0xE, s14  }
0x143: {  	v1 =	vadd.f32 v3, v1;
	s16 =	sshll.u32 s15, $0x5;
	v3 =	vadd.f32 v5, v4;
	v4 =	vmul.f32 v2, v2  }
0x144: {  	s16 =	sand.u32 $0x3FFFFFE0, s16;
	v0 =	vadd.f32 v2, v0  }
0x145: {  	s15 =	sshll.u32 s15, $0x4;
	[tilespmem:s16+$0xCC00] =	vst v1;
	v2 =	vadd.f32 v4, v3  }
0x146: {  	s15 =	sand.u32 $0x3FFFFFF0, s15;
	[tilespmem:s16+$0xCC10] =	vst v0  }
0x147: {  	s18 =	simm.s32 $0x0;
	[tilespmem:s15+$0x10C00] =	vst v2  }
0x148: {  	v3 =	vld [tilespmem:s18+$0xC5C0];
	_ =	sdelay $0x1  }
0x149: {  	v2 =	vld [tilespmem:s18+$0xC5D0]  }
0x14a: {  	v1 =	vimm.f32 $0.0e+00;
	v0 =	vimm.f32 $0.0e+00;
	v4 =	vimm.f32 $0.0e+00;
	s15 =	simm.s32 $0x80  }
.LBB2_33:
0x14b: {  	p1 =	sne.s32 s15, $0x1880  }
.Ltmp17:
0x14c: {  	s16 =	sshra.s32 s15, $0x2;
	s15 =	sadd.s32 $0x80, s15;
	v1 =	vadd.f32 v3, v1;
	v5 =	vmul.f32 v3, v3;
	(pc) =	sbr.rel @p1 .LBB2_33-.Ltmp17, $4  }
0x14d: {  	v3 =	vld [tilespmem:s16+$0xC5C0]  }
0x14e: {  	v0 =	vadd.f32 v2, v0;
	v4 =	vadd.f32 v5, v4;
	v5 =	vmul.f32 v2, v2  }
0x14f: {  	v2 =	vld [tilespmem:s16+$0xC5D0]  }
0x150: {  	v4 =	vadd.f32 v5, v4  }
0x151: {  	_ = 	snop  }
0x152: {  	v5 =	vmul.f32 v3, v3  }
0x153: {  	s14 =	sor.u32 $0xF, s14  }
.Ltmp18:
0x154: {  	v1 =	vadd.f32 v3, v1;
	s15 =	sshll.u32 s14, $0x5;
	v61 =	vadd.f32 v5, v4;
	v62 =	vmul.f32 v2, v2;
	(pc) =	sbr.rel @p0 .LBB2_36-.Ltmp18, $4  }
0x155: {  	s15 =	sand.u32 $0x3FFFFFE0, s15;
	v0 =	vadd.f32 v2, v0  }
0x156: {  	s14 =	sshll.u32 s14, $0x4;
	[tilespmem:s15+$0xCC00] =	vst v1;
	v63 =	vadd.f32 v62, v61  }
0x157: {  	s14 =	sand.u32 $0x3FFFFFF0, s14;
	[tilespmem:s15+$0xCC10] =	vst v0  }
0x158: {  	[tilespmem:s14+$0x10C00] =	vst v63  }
0x159: {  	s14 =	smul.u32 $0xD00, s13  }
.Ltmp19:
0x15a: {  	_ = 	snop;
	(pc) =	sbr.rel .LBB2_2-.Ltmp19, $4  }
0x15b: {  	_ = 	snop  }
0x15c: {  	s14 =	sshra.s32 s14, $0x2  }
0x15d: {  	s13 =	sadd.s32 $0x1, s13;
	s14 =	sadd.s32 $0x618, s14  }
0x15e: {  	[tilespmem:s24], [sflag:$0x8] =	stream.indirect.gather [hbm4b:s3+s9], $0x20, s14, s9, $0xb8;
	[tilespmem:$0x12C00] =	vst v63  }
.LBB2_37:
0x15f: {  	_ =	sfence.sel $0x180000  }
0x160: {  	[bflag:$0x0] =	sbarrier.arrive $0xFFFF  }
0x161: {  	_ =	strace $0x90000047  }
0x162: {  	s0 =	stileid.u32;
	[bflag:$0x2] =	sbarrier.arrive $0xFFFF  }
0x163: {  	p0 =	sne.s32 s0, $0x0;
	s0 =	rddreg [dreg:$0x1]  }
0x164: {  	s0 =	sadd.s32 @!p0 $0x100000, s0  }
0x165: {  	[sflag:s0] =	ssyncadd.tile.s32 @!p0 $0x1;
	_ =	shalt  }
.Lfunc_end2:
_tile_overlayer_lowered:
.L_overlay_start_2:
0x166: {  	(tag) =	ssettag $0x2  }
0x167: {  	s0 =	rddreg [dreg:$0x0];
	s2 =	stileid.u32  }
0x168: {  	s1 =	rddreg [dreg:$0x1];
	p0 =	sne.s32 s2, $0x0  }
0x169: {  	s3 =	rddreg [dreg:$0x2];
	[bflag:$0x3] =	sbarrier.arrive $0xFFFF;
	s2 =	simm.s32 @!p0 $0x1C09  }
0x16a: {  	[timem:s3], [sflag:s2] =	dma.local @!p0 [hbm:s0], s1  }
0x16b: {  	s0 =	simm.s32 @!p0 $0x9  }
0x16c: {  	_ =	swait.ge @!p0 [sflag:s0], s1  }
0x16d: {  	s1 =	ssub.s32 @!p0 $0x0, s1;
	[sflag:s0] =	ssyncset.done @!p0 $0x0  }
0x16e: {  	[sflag:s0] =	ssyncadd.s32 @!p0 s1  }
0x16f: {  	[bflag:$0x3] =	sbarrier.arrive $0xFFFF  }
0x170: {  	_ =	shalt  }

</sc_bundles>
